<compile_context>
chip_gen: v7x
topology: tpu7x:2x2x1
jax: 0.10.2.dev20260603
libtpu: 0.0.44.dev20260713+nightly
codegen_flags: <defaults>
</compile_context>

<pallas_src>
import functools

import jax
import jax.numpy as jnp
from jax import lax
from jax.experimental import pallas as pl
from jax.experimental.pallas import tpu as pltpu
from jax.experimental.pallas import tpu_sc as plsc

_N_KEYS = 100000
_D = 64
_B = 1024
_K = 16
_TAU = 0.1
_BETA = 1.0
_LAMB = 1e-4
_EPS = 1e-8

_RB = 1024
_CB = 2048
_NBK = 128
_NR = _B // _RB
_NT = -(-_N_KEYS // _CB)
_NPAD = _NT * _CB
_INF = 3.0e38
_HI = lax.Precision.HIGHEST


def _gather_pre_tables(pre_indices, pre_weights, q_indices):
    info = plsc.get_sparse_core_info()
    nw = info.num_cores * info.num_subcores
    bpw = _B // nw
    mesh = plsc.VectorSubcoreMesh(core_axis_name="c", subcore_axis_name="s")

    @functools.partial(
        pl.kernel,
        mesh=mesh,
        out_type=[
            jax.ShapeDtypeStruct((_B, _K), jnp.int32),
            jax.ShapeDtypeStruct((_B, _K), jnp.float32),
        ],
        scratch_types=[
            pltpu.VMEM((bpw,), jnp.int32),
            pltpu.VMEM((bpw, _K), jnp.int32),
            pltpu.VMEM((bpw, _K), jnp.float32),
            pltpu.SemaphoreType.DMA,
            pltpu.SemaphoreType.DMA,
        ],
        compiler_params=pltpu.CompilerParams(use_tc_tiling_on_sc=False),
    )
    def gather_kernel(pi_hbm, pw_hbm, qi_hbm, oi_hbm, ow_hbm,
                      idx_v, ri_v, rw_v, s1, s2):
        wid = lax.axis_index("s") * info.num_cores + lax.axis_index("c")
        base = wid * bpw
        pltpu.sync_copy(qi_hbm.at[pl.ds(base, bpw)], idx_v)
        c1 = pltpu.async_copy(pi_hbm.at[idx_v], ri_v, s1)
        c2 = pltpu.async_copy(pw_hbm.at[idx_v], rw_v, s2)
        c1.wait()
        c2.wait()
        pltpu.sync_copy(ri_v, oi_hbm.at[pl.ds(base, bpw)])
        pltpu.sync_copy(rw_v, ow_hbm.at[pl.ds(base, bpw)])

    return gather_kernel(pre_indices, pre_weights, q_indices)


def _tc_body(q_ref, w_ref, b_ref, x_ref, pig_ref, pwg_ref, out_ref,
             tq_ref, v1, v2, i1, i2, tv_ref, ti_ref, td_ref):
    r = pl.program_id(0)
    t = pl.program_id(1)

    @pl.when(jnp.logical_and(r == 0, t == 0))
    def _init_out():
        w = w_ref[...]
        bb = b_ref[...]
        out_ref[0, 0] = 0.0
        out_ref[0, 1] = (jnp.sum(w * w) + jnp.sum(bb * bb)) * 0.5

    @pl.when(t == 0)
    def _init_row_block():
        tq_ref[...] = (
            jnp.dot(q_ref[...], w_ref[...],
                    preferred_element_type=jnp.float32, precision=_HI)
            + b_ref[...]
        )
        v1[...] = jnp.full((_RB, _NBK), _INF, jnp.float32)
        v2[...] = jnp.full((_RB, _NBK), _INF, jnp.float32)
        i1[...] = jnp.zeros((_RB, _NBK), jnp.int32)
        i2[...] = jnp.zeros((_RB, _NBK), jnp.int32)

    xt = x_ref[...]
    xt32 = xt.astype(jnp.float32)
    ones = jnp.ones((1, _D), jnp.float32)
    xn = lax.dot_general(ones, xt32 * xt32, (((1,), (0,)), ((), ())),
                         precision=_HI, preferred_element_type=jnp.float32)
    tqb = tq_ref[...].astype(jnp.bfloat16)
    dot = lax.dot_general(tqb, xt, (((1,), (0,)), ((), ())),
                          preferred_element_type=jnp.float32)
    s = xn - 2.0 * dot
    col = lax.broadcasted_iota(jnp.int32, (_RB, _CB), 1)
    gidx = col + t * _CB

    s2, g2 = s, gidx
    w = _CB
    while w > _NBK:
        w //= 2
        c = s2[:, :w] <= s2[:, w:]
        s2 = jnp.where(c, s2[:, :w], s2[:, w:])
        g2 = jnp.where(c, g2[:, :w], g2[:, w:])

    a1 = v1[...]
    c1 = s2 < a1
    nv1 = jnp.where(c1, s2, a1)
    dv = jnp.where(c1, a1, s2)
    ai1 = i1[...]
    ni1 = jnp.where(c1, g2, ai1)
    di = jnp.where(c1, ai1, g2)

    a2 = v2[...]
    c2 = dv < a2
    nv2 = jnp.where(c2, dv, a2)
    ai2 = i2[...]
    ni2 = jnp.where(c2, di, ai2)

    v1[...] = nv1
    v2[...] = nv2
    i1[...] = ni1
    i2[...] = ni2

    @pl.when(t == _NT - 1)
    def _finish():
        cols = lax.broadcasted_iota(jnp.int32, (_RB, _NBK), 1)
        col16 = lax.broadcasted_iota(jnp.int32, (_RB, _K), 1)
        big = 2 ** 30

        def _extract(k, carry):
            tvacc, tiacc = carry
            tv1 = v1[...]
            m = jnp.min(tv1, axis=1, keepdims=True)
            eq = tv1 == m
            pos = jnp.min(jnp.where(eq, cols, big), axis=1, keepdims=True)
            hit = cols == pos
            gi = jnp.sum(jnp.where(hit, i1[...], 0), axis=1, keepdims=True)
            sel = col16 == k
            tvacc = jnp.where(sel, m, tvacc)
            tiacc = jnp.where(sel, gi, tiacc)
            v1[...] = jnp.where(hit, v2[...], tv1)
            i1[...] = jnp.where(hit, i2[...], i1[...])
            v2[...] = jnp.where(hit, _INF, v2[...])
            return tvacc, tiacc

        top_v, top_i = lax.fori_loop(
            0, _K, _extract,
            (jnp.zeros((_RB, _K), jnp.float32), jnp.zeros((_RB, _K), jnp.int32)))
        tv_ref[...] = top_v
        ti_ref[...] = top_i

        tq = tq_ref[...]
        tqn = jnp.sum(tq * tq, axis=1, keepdims=True)
        l2 = tv_ref[...] + tqn
        logits = -l2 / _TAU
        logits = logits - jnp.max(logits, axis=1, keepdims=True)
        e = jnp.exp(logits)
        post_w = e / jnp.sum(e, axis=1, keepdims=True)

        pre_i = pig_ref[...]
        pre_w = pwg_ref[...]
        post_i = ti_ref[...]

        q_on_pre = jnp.zeros((_RB, _K), jnp.float32)
        td_ref[...] = jnp.zeros((_RB, _K), jnp.float32)
        for j in range(_K):
            pj = post_i[:, j:j + 1]
            wj = post_w[:, j:j + 1]
            mj = pre_i == pj
            q_on_pre = q_on_pre + jnp.where(mj, wj, 0.0)
            dupj = jnp.any(mj, axis=1, keepdims=True)
            td_ref[:, j:j + 1] = jnp.where(dupj, 1.0, 0.0)

        vf_post = 1.0 - td_ref[...]
        p_c_pre = jnp.maximum(pre_w, _EPS)
        q_c_pre = jnp.maximum(q_on_pre, _EPS)
        p_c_post = jnp.full((_RB, _K), _EPS, jnp.float32) * vf_post
        q_c_post = jnp.maximum(post_w, _EPS) * vf_post

        sum_p = (jnp.sum(p_c_pre, axis=1, keepdims=True)
                 + jnp.sum(p_c_post, axis=1, keepdims=True))
        sum_q = (jnp.sum(q_c_pre, axis=1, keepdims=True)
                 + jnp.sum(q_c_post, axis=1, keepdims=True))
        p_pre = p_c_pre / sum_p
        p_post = p_c_post / sum_p
        q_pre = q_c_pre / sum_q
        q_post = q_c_post / sum_q

        kl_pre = p_pre * (jnp.log(p_pre) - jnp.log(q_pre))
        valid_post = vf_post > 0.0
        p_post_s = jnp.where(valid_post, p_post, 1.0)
        q_post_s = jnp.where(valid_post, q_post, 1.0)
        kl_post = jnp.where(valid_post,
                            p_post_s * (jnp.log(p_post_s) - jnp.log(q_post_s)),
                            0.0)
        kl_row = (jnp.sum(kl_pre, axis=1, keepdims=True)
                  + jnp.sum(kl_post, axis=1, keepdims=True))
        out_ref[0, 0] += jnp.sum(kl_row)


def _tc_loss(q_batch, W, b2, xt, pre_idx_g, pre_w_g, interpret=False):
    out = pl.pallas_call(
        _tc_body,
        grid=(_NR, _NT),
        in_specs=[
            pl.BlockSpec((_RB, _D), lambda r, t: (r, 0)),
            pl.BlockSpec((_D, _D), lambda r, t: (0, 0)),
            pl.BlockSpec((1, _D), lambda r, t: (0, 0)),
            pl.BlockSpec((_D, _CB), lambda r, t: (0, t)),
            pl.BlockSpec((_RB, _K), lambda r, t: (r, 0)),
            pl.BlockSpec((_RB, _K), lambda r, t: (r, 0)),
        ],
        out_specs=pl.BlockSpec((1, 2), lambda r, t: (0, 0),
                               memory_space=pltpu.SMEM),
        out_shape=jax.ShapeDtypeStruct((1, 2), jnp.float32),
        scratch_shapes=[
            pltpu.VMEM((_RB, _D), jnp.float32),
            pltpu.VMEM((_RB, _NBK), jnp.float32),
            pltpu.VMEM((_RB, _NBK), jnp.float32),
            pltpu.VMEM((_RB, _NBK), jnp.int32),
            pltpu.VMEM((_RB, _NBK), jnp.int32),
            pltpu.VMEM((_RB, _K), jnp.float32),
            pltpu.VMEM((_RB, _K), jnp.int32),
            pltpu.VMEM((_RB, _K), jnp.float32),
        ],
        compiler_params=pltpu.CompilerParams(
            dimension_semantics=("arbitrary", "arbitrary")),
        interpret=interpret,
    )(q_batch, W, b2, xt, pre_idx_g, pre_w_g)
    return out


def kernel(q_batch, q_indices, W, b, X, pre_indices, pre_weights):
    pre_idx_g, pre_w_g = _gather_pre_tables(
        pre_indices, pre_weights, q_indices.astype(jnp.int32))
    b2 = b.reshape(1, _D)
    xt = jnp.pad(X.astype(jnp.bfloat16), ((0, _NPAD - _N_KEYS), (0, 0)),
                 constant_values=1000.0).T
    out = _tc_loss(q_batch, W, b2, xt, pre_idx_g, pre_w_g)
    loss_knn = out[0, 0] / jnp.float32(_B)
    loss_reg = out[0, 1]
    total = jnp.float32(_BETA) * loss_knn + jnp.float32(_LAMB) * loss_reg
    loss_dist = jnp.asarray(0.0, dtype=jnp.float32)
    return (total, loss_dist, loss_knn)

# --- scband reference (transcript-rebuilt; emitter-appended) ---
"""Pipeline reference for scband-custom-loss-11630771438153 (READ-ONLY COPY).

The authoritative reference and input builder live on the scoring server;
editing this copy changes nothing except your own understanding.
"""

import jax, jax.numpy as jnp
import numpy as np

N_KEYS = 100000
D = 64
NQ = 16384
BATCH = 1024
K = 16
TAU = 0.1
BETA = 1.0
LAMB = 1e-4
EPS = 1e-8


def setup_inputs(seed: int = 0):
    key = jax.random.key(seed)
    ks = jax.random.split(key, 8)
    q_batch = jax.random.normal(ks[0], (BATCH, D), dtype=jnp.float32)
    q_indices = jax.random.randint(ks[1], (BATCH,), 0, NQ)
    # simple linear 'model' parameters (stand-in for the torch nn.Module passed to forward)
    W = jax.random.normal(ks[2], (D, D), dtype=jnp.float32) * 0.1
    b = jnp.zeros((D,), dtype=jnp.float32)
    # key database self.X (faiss index is an exact L2 index over X)
    X = jax.random.normal(ks[3], (N_KEYS, D), dtype=jnp.float32)
    # pre-computed kNN tables: indices are guaranteed distinct within each row
    base = jax.random.randint(ks[4], (NQ,), 0, N_KEYS)
    pre_indices = (base[:, None] + jnp.arange(K)[None, :] * 617) % N_KEYS
    pre_weights = jax.nn.softmax(jax.random.normal(ks[5], (NQ, K), dtype=jnp.float32), axis=1)
    return {"q_batch": q_batch, "q_indices": q_indices, "W": W, "b": b,
            "X": X, "pre_indices": pre_indices, "pre_weights": pre_weights}


def _knn_consistency(T_q, q_indices, X, pre_indices_all, pre_weights_all):
    # faiss exact L2 search on detached queries -> brute force + top_k
    Tq_sg = jax.lax.stop_gradient(T_q)
    d2 = (jnp.sum(Tq_sg ** 2, axis=1, keepdims=True)
          - 2.0 * Tq_sg @ X.T
          + jnp.sum(X ** 2, axis=1)[None, :])
    _, post_idx = jax.lax.top_k(-d2, K)  # [B, K] nearest neighbors
    X_neighbors = X[post_idx]  # [B, K, D] gather
    l2_dist_sq = jnp.sum((T_q[:, None, :] - X_neighbors) ** 2, axis=-1)  # [B, K]
    post_w = jax.nn.softmax(-l2_dist_sq / TAU, axis=1)  # [B, K]
    pre_idx = pre_indices_all[q_indices]  # [B, K]
    pre_w = pre_weights_all[q_indices]    # [B, K]
    # union construction: slots = [pre slots (K), post slots (K)]; post slots that
    # duplicate a pre index are folded into the corresponding pre slot.
    match = (pre_idx[:, :, None] == post_idx[:, None, :])  # [B, K, K]
    dup_post = jnp.any(match, axis=1)  # [B, K]
    valid = jnp.concatenate([jnp.ones_like(dup_post), jnp.logical_not(dup_post)], axis=1)  # [B, 2K]
    p_raw = jnp.concatenate([pre_w, jnp.zeros_like(post_w)], axis=1)
    q_on_pre = jnp.einsum('bij,bj->bi', match.astype(post_w.dtype), post_w)
    q_raw = jnp.concatenate([q_on_pre, post_w], axis=1)
    vf = valid.astype(p_raw.dtype)
    p_c = jnp.maximum(p_raw, EPS) * vf
    q_c = jnp.maximum(q_raw, EPS) * vf
    p = p_c / jnp.sum(p_c, axis=1, keepdims=True)
    q = q_c / jnp.sum(q_c, axis=1, keepdims=True)
    p_safe = jnp.where(valid, p, 1.0)
    q_safe = jnp.where(valid, q, 1.0)
    kl = jnp.sum(jnp.where(valid, p_safe * (jnp.log(p_safe) - jnp.log(q_safe)), 0.0), axis=1)
    return jnp.mean(kl)


def reference(q_batch, q_indices, W, b, X, pre_indices, pre_weights):
    T_q = q_batch @ W + b  # model forward
    loss_dist = jnp.asarray(0.0, dtype=jnp.float32)
    loss_knn = _knn_consistency(T_q, q_indices, X, pre_indices, pre_weights)
    loss_reg = (jnp.sum(W ** 2) + jnp.sum(b ** 2)) / 2.0  # L2 reg over model params
    total_loss = BETA * loss_knn + LAMB * loss_reg
    return (total_loss, loss_dist, loss_knn)

if __name__ == "__main__":
    import jax
    _d = setup_inputs()
    print(jax.jit(kernel)(*tuple(_d.values())))

</pallas_src>

<mosaic_0001>
#map = affine_map<(d0, d1) -> (0, 0)>
#map1 = affine_map<(d0, d1) -> (0)>
module attributes {stable_mosaic.version = 14 : i64} {
  func.func @gather_kernel(%arg0: i32, %arg1: i32, %arg2: memref<16384x16xi32, #tpu.memory_space<hbm>>, %arg3: memref<16384x16xf32, #tpu.memory_space<hbm>>, %arg4: memref<1024xi32, #tpu.memory_space<hbm>>, %arg5: memref<1024x16xi32, #tpu.memory_space<hbm>>, %arg6: memref<1024x16xf32, #tpu.memory_space<hbm>>, %arg7: memref<32xi32, #tpu.memory_space<vmem>>, %arg8: memref<32x16xi32, #tpu.memory_space<vmem>>, %arg9: memref<32x16xf32, #tpu.memory_space<vmem>>, %arg10: memref<!tpu.dma_semaphore, #tpu.memory_space<semaphore_mem>>, %arg11: memref<!tpu.dma_semaphore, #tpu.memory_space<semaphore_mem>>) attributes {dimension_semantics = [#tpu.dimension_semantics<core_parallel>, #tpu.dimension_semantics<subcore_parallel>], iteration_bounds = array<i64: 2, 16>, scalar_prefetch = 0 : i64, scratch_operands = 5 : i64, tpu.core_type = #tpu.core_type<sc_vector_subcore>, window_params = [{transform_indices = #map}, {transform_indices = #map}, {transform_indices = #map1}, {transform_indices = #map}, {transform_indices = #map}]} {
    %mul3A = arith.constant 2 : i32
    %mul3A_0 = arith.muli %arg1, %mul3A : i32
    %add3A = arith.addi %mul3A_0, %arg0 : i32
    %mul3A_1 = arith.constant 32 : i32
    %mul3A_2 = arith.muli %add3A, %mul3A_1 : i32
    "tpu.region"() ({
      %run_scoped3A = tpu.sem_alloc : memref<!tpu.dma_semaphore, #tpu.memory_space<semaphore_mem>>
      %dma_start3A_13 = tpu.memref_slice %arg4[%mul3A_2] : memref<1024xi32, #tpu.memory_space<hbm>> -> memref<32xi32, #tpu.memory_space<hbm>>
      %dma_start3A_14 = tpu.memref_slice %arg4[%mul3A_2] : memref<1024xi32, #tpu.memory_space<hbm>> -> memref<32xi32, #tpu.memory_space<hbm>>
      tpu.enqueue_dma source(%dma_start3A_14 : memref<32xi32, #tpu.memory_space<hbm>>) target(%arg7 : memref<32xi32, #tpu.memory_space<vmem>>) target_semaphore(%run_scoped3A : memref<!tpu.dma_semaphore, #tpu.memory_space<semaphore_mem>>)
      %dma_wait3A_15 = tpu.memref_slice %arg4[%mul3A_2] : memref<1024xi32, #tpu.memory_space<hbm>> -> memref<32xi32, #tpu.memory_space<hbm>>
      %dma_wait3A_16 = tpu.memref_slice %arg4[%mul3A_2] : memref<1024xi32, #tpu.memory_space<hbm>> -> memref<32xi32, #tpu.memory_space<hbm>>
      tpu.wait_dma2 semaphore(%run_scoped3A : memref<!tpu.dma_semaphore, #tpu.memory_space<semaphore_mem>>) src(%dma_wait3A_16 : memref<32xi32, #tpu.memory_space<hbm>>) dst(%arg7 : memref<32xi32, #tpu.memory_space<vmem>>)
      tpu.yield
    }) : () -> ()
    %dma_start3A = arith.constant 0 : i32
    %dma_start3A_3 = arith.constant 0 : i32
    %dma_start3A_4 = tpu.memref_slice %arg2[%dma_start3A, %dma_start3A_3] : memref<16384x16xi32, #tpu.memory_space<hbm>> -> memref<16384x16xi32, #tpu.memory_space<hbm>>
    tpu.enqueue_indirect_dma source(%dma_start3A_4 : memref<16384x16xi32, #tpu.memory_space<hbm>>) target(%arg8 : memref<32x16xi32, #tpu.memory_space<vmem>>) offsets(%arg7 : memref<32xi32, #tpu.memory_space<vmem>>) semaphore(%arg10 : memref<!tpu.dma_semaphore, #tpu.memory_space<semaphore_mem>>)
    %dma_start3A_5 = arith.constant 0 : i32
    %dma_start3A_6 = arith.constant 0 : i32
    %dma_start3A_7 = tpu.memref_slice %arg3[%dma_start3A_5, %dma_start3A_6] : memref<16384x16xf32, #tpu.memory_space<hbm>> -> memref<16384x16xf32, #tpu.memory_space<hbm>>
    tpu.enqueue_indirect_dma source(%dma_start3A_7 : memref<16384x16xf32, #tpu.memory_space<hbm>>) target(%arg9 : memref<32x16xf32, #tpu.memory_space<vmem>>) offsets(%arg7 : memref<32xi32, #tpu.memory_space<vmem>>) semaphore(%arg11 : memref<!tpu.dma_semaphore, #tpu.memory_space<semaphore_mem>>)
    %dma_wait3A = arith.constant 0 : i32
    %dma_wait3A_8 = arith.constant 0 : i32
    %dma_wait3A_9 = tpu.memref_slice %arg2[%dma_wait3A, %dma_wait3A_8] : memref<16384x16xi32, #tpu.memory_space<hbm>> -> memref<16384x16xi32, #tpu.memory_space<hbm>>
    tpu.wait_indirect_dma semaphore(%arg10 : memref<!tpu.dma_semaphore, #tpu.memory_space<semaphore_mem>>) src(%dma_wait3A_9 : memref<16384x16xi32, #tpu.memory_space<hbm>>) dst(%arg8 : memref<32x16xi32, #tpu.memory_space<vmem>>)
    %dma_wait3A_10 = arith.constant 0 : i32
    %dma_wait3A_11 = arith.constant 0 : i32
    %dma_wait3A_12 = tpu.memref_slice %arg3[%dma_wait3A_10, %dma_wait3A_11] : memref<16384x16xf32, #tpu.memory_space<hbm>> -> memref<16384x16xf32, #tpu.memory_space<hbm>>
    tpu.wait_indirect_dma semaphore(%arg11 : memref<!tpu.dma_semaphore, #tpu.memory_space<semaphore_mem>>) src(%dma_wait3A_12 : memref<16384x16xf32, #tpu.memory_space<hbm>>) dst(%arg9 : memref<32x16xf32, #tpu.memory_space<vmem>>)
    "tpu.region"() ({
      %run_scoped3A = tpu.sem_alloc : memref<!tpu.dma_semaphore, #tpu.memory_space<semaphore_mem>>
      %dma_start3A_13 = arith.constant 0 : i32
      %dma_start3A_14 = tpu.memref_slice %arg5[%mul3A_2, %dma_start3A_13] : memref<1024x16xi32, #tpu.memory_space<hbm>> -> memref<32x16xi32, #tpu.memory_space<hbm>>
      %dma_start3A_15 = arith.constant 0 : i32
      %dma_start3A_16 = tpu.memref_slice %arg5[%mul3A_2, %dma_start3A_15] : memref<1024x16xi32, #tpu.memory_space<hbm>> -> memref<32x16xi32, #tpu.memory_space<hbm>>
      tpu.enqueue_dma source(%arg8 : memref<32x16xi32, #tpu.memory_space<vmem>>) target(%dma_start3A_16 : memref<32x16xi32, #tpu.memory_space<hbm>>) target_semaphore(%run_scoped3A : memref<!tpu.dma_semaphore, #tpu.memory_space<semaphore_mem>>)
      %dma_wait3A_17 = arith.constant 0 : i32
      %dma_wait3A_18 = tpu.memref_slice %arg5[%mul3A_2, %dma_wait3A_17] : memref<1024x16xi32, #tpu.memory_space<hbm>> -> memref<32x16xi32, #tpu.memory_space<hbm>>
      %dma_wait3A_19 = arith.constant 0 : i32
      %dma_wait3A_20 = tpu.memref_slice %arg5[%mul3A_2, %dma_wait3A_19] : memref<1024x16xi32, #tpu.memory_space<hbm>> -> memref<32x16xi32, #tpu.memory_space<hbm>>
      tpu.wait_dma2 semaphore(%run_scoped3A : memref<!tpu.dma_semaphore, #tpu.memory_space<semaphore_mem>>) src(%arg8 : memref<32x16xi32, #tpu.memory_space<vmem>>) dst(%dma_wait3A_20 : memref<32x16xi32, #tpu.memory_space<hbm>>)
      tpu.yield
    }) : () -> ()
    "tpu.region"() ({
      %run_scoped3A = tpu.sem_alloc : memref<!tpu.dma_semaphore, #tpu.memory_space<semaphore_mem>>
      %dma_start3A_13 = arith.constant 0 : i32
      %dma_start3A_14 = tpu.memref_slice %arg6[%mul3A_2, %dma_start3A_13] : memref<1024x16xf32, #tpu.memory_space<hbm>> -> memref<32x16xf32, #tpu.memory_space<hbm>>
      %dma_start3A_15 = arith.constant 0 : i32
      %dma_start3A_16 = tpu.memref_slice %arg6[%mul3A_2, %dma_start3A_15] : memref<1024x16xf32, #tpu.memory_space<hbm>> -> memref<32x16xf32, #tpu.memory_space<hbm>>
      tpu.enqueue_dma source(%arg9 : memref<32x16xf32, #tpu.memory_space<vmem>>) target(%dma_start3A_16 : memref<32x16xf32, #tpu.memory_space<hbm>>) target_semaphore(%run_scoped3A : memref<!tpu.dma_semaphore, #tpu.memory_space<semaphore_mem>>)
      %dma_wait3A_17 = arith.constant 0 : i32
      %dma_wait3A_18 = tpu.memref_slice %arg6[%mul3A_2, %dma_wait3A_17] : memref<1024x16xf32, #tpu.memory_space<hbm>> -> memref<32x16xf32, #tpu.memory_space<hbm>>
      %dma_wait3A_19 = arith.constant 0 : i32
      %dma_wait3A_20 = tpu.memref_slice %arg6[%mul3A_2, %dma_wait3A_19] : memref<1024x16xf32, #tpu.memory_space<hbm>> -> memref<32x16xf32, #tpu.memory_space<hbm>>
      tpu.wait_dma2 semaphore(%run_scoped3A : memref<!tpu.dma_semaphore, #tpu.memory_space<semaphore_mem>>) src(%arg9 : memref<32x16xf32, #tpu.memory_space<vmem>>) dst(%dma_wait3A_20 : memref<32x16xf32, #tpu.memory_space<hbm>>)
      tpu.yield
    }) : () -> ()
    return
  }
}

module attributes {stable_mosaic.version = 14 : i64} {
  func.func @_tc_body(%arg0: i32, %arg1: i32, %arg2: memref<1024x64xf32, #tpu.memory_space<vmem>>, %arg3: memref<64x64xf32, #tpu.memory_space<vmem>>, %arg4: memref<1x64xf32, #tpu.memory_space<vmem>>, %arg5: memref<64x2048xbf16, #tpu.memory_space<vmem>>, %arg6: memref<1024x16xi32, #tpu.memory_space<vmem>>, %arg7: memref<1024x16xf32, #tpu.memory_space<vmem>>, %arg8: memref<1x2xf32, #tpu.memory_space<smem>>, %arg9: memref<1024x64xf32, #tpu.memory_space<vmem>>, %arg10: memref<1024x128xf32, #tpu.memory_space<vmem>>, %arg11: memref<1024x128xf32, #tpu.memory_space<vmem>>, %arg12: memref<1024x128xi32, #tpu.memory_space<vmem>>, %arg13: memref<1024x128xi32, #tpu.memory_space<vmem>>, %arg14: memref<1024x16xf32, #tpu.memory_space<vmem>>, %arg15: memref<1024x16xi32, #tpu.memory_space<vmem>>, %arg16: memref<1024x16xf32, #tpu.memory_space<vmem>>) attributes {dimension_semantics = [#tpu.dimension_semantics<arbitrary>, #tpu.dimension_semantics<arbitrary>], iteration_bounds = array<i64: 1, 49>, scalar_prefetch = 0 : i64, scratch_operands = 8 : i64, tpu.core_type = #tpu.core_type<tc>, window_params = [{transform_indices = @transform_0, window_bounds = array<i64: 1024, 64>}, {pipeline_mode = #tpu.pipeline_mode<synchronous>, transform_indices = @transform_1, window_bounds = array<i64: 64, 64>}, {pipeline_mode = #tpu.pipeline_mode<synchronous>, transform_indices = @transform_2, window_bounds = array<i64: 1, 64>}, {transform_indices = @transform_3, window_bounds = array<i64: 64, 2048>}, {transform_indices = @transform_4, window_bounds = array<i64: 1024, 16>}, {transform_indices = @transform_5, window_bounds = array<i64: 1024, 16>}, {transform_indices = @transform_6, window_bounds = array<i64: 1, 2>}]} {
    %eq3A = arith.constant 0 : i32
    %eq3A_0 = arith.cmpi eq, %arg0, %eq3A : i32
    %eq3A_1 = arith.constant 0 : i32
    %eq3A_2 = arith.cmpi eq, %arg1, %eq3A_1 : i32
    %and3A = arith.andi %eq3A_0, %eq3A_2 : i1
    %convert_element_type3A = arith.extui %and3A : i1 to i32
    %cond3A = arith.constant 0 : i32
    %cond3A_3 = arith.cmpi ne, %convert_element_type3A, %cond3A : i32
    scf.if %cond3A_3 {
      %get3A_95 = arith.constant 0 : index
      %get3A_96 = arith.constant 0 : index
      %get3A_97 = vector.load %arg3[%get3A_95, %get3A_96] : memref<64x64xf32, #tpu.memory_space<vmem>>, vector<64x64xf32>
      %get3A_98 = arith.constant 0 : index
      %get3A_99 = arith.constant 0 : index
      %get3A_100 = vector.load %arg4[%get3A_98, %get3A_99] : memref<1x64xf32, #tpu.memory_space<vmem>>, vector<1x64xf32>
      %swap3A_101 = arith.constant 0.000000e+00 : f32
      %swap3A_102 = arith.constant 0 : index
      %swap3A_103 = arith.constant 0 : index
      %swap3A_104 = memref.load %arg8[%swap3A_102, %swap3A_103] : memref<1x2xf32, #tpu.memory_space<smem>>
      memref.store %swap3A_101, %arg8[%swap3A_102, %swap3A_103] : memref<1x2xf32, #tpu.memory_space<smem>>
      %mul3A_105 = arith.mulf %get3A_97, %get3A_97 : vector<64x64xf32>
      %reduce_sum3A = vector.shape_cast %mul3A_105 : vector<64x64xf32> to vector<1x64x64xf32>
      %reduce_sum3A_106 = arith.constant dense<0.000000e+00> : vector<1xf32>
      %reduce_sum3A_107 = vector.multi_reduction <add>, %reduce_sum3A, %reduce_sum3A_106 [1, 2] : vector<1x64x64xf32> to vector<1xf32>
      %reduce_sum3A_108 = vector.shape_cast %reduce_sum3A_107 : vector<1xf32> to vector<1x1x1xf32>
      %reduce_sum3A_109 = vector.extract %reduce_sum3A_108[0, 0, 0] : f32 from vector<1x1x1xf32>
      %mul3A_110 = arith.mulf %get3A_100, %get3A_100 : vector<1x64xf32>
      %reduce_sum3A_111 = vector.shape_cast %mul3A_110 : vector<1x64xf32> to vector<1x1x64xf32>
      %reduce_sum3A_112 = arith.constant dense<0.000000e+00> : vector<1xf32>
      %reduce_sum3A_113 = vector.multi_reduction <add>, %reduce_sum3A_111, %reduce_sum3A_112 [1, 2] : vector<1x1x64xf32> to vector<1xf32>
      %reduce_sum3A_114 = vector.shape_cast %reduce_sum3A_113 : vector<1xf32> to vector<1x1x1xf32>
      %reduce_sum3A_115 = vector.extract %reduce_sum3A_114[0, 0, 0] : f32 from vector<1x1x1xf32>
      %add3A_116 = arith.addf %reduce_sum3A_109, %reduce_sum3A_115 : f32
      %mul3A_117 = arith.constant 5.000000e-01 : f32
      %mul3A_118 = arith.mulf %add3A_116, %mul3A_117 : f32
      %swap3A_119 = arith.constant 0 : index
      %swap3A_120 = arith.constant 1 : index
      %swap3A_121 = memref.load %arg8[%swap3A_119, %swap3A_120] : memref<1x2xf32, #tpu.memory_space<smem>>
      memref.store %mul3A_118, %arg8[%swap3A_119, %swap3A_120] : memref<1x2xf32, #tpu.memory_space<smem>>
    } else {
    }
    %eq3A_4 = arith.constant 0 : i32
    %eq3A_5 = arith.cmpi eq, %arg1, %eq3A_4 : i32
    %convert_element_type3A_6 = arith.extui %eq3A_5 : i1 to i32
    %cond3A_7 = arith.constant 0 : i32
    %cond3A_8 = arith.cmpi ne, %convert_element_type3A_6, %cond3A_7 : i32
    scf.if %cond3A_8 {
      %get3A_95 = arith.constant 0 : index
      %get3A_96 = arith.constant 0 : index
      %get3A_97 = vector.load %arg2[%get3A_95, %get3A_96] : memref<1024x64xf32, #tpu.memory_space<vmem>>, vector<1024x64xf32>
      %get3A_98 = arith.constant 0 : index
      %get3A_99 = arith.constant 0 : index
      %get3A_100 = vector.load %arg3[%get3A_98, %get3A_99] : memref<64x64xf32, #tpu.memory_space<vmem>>, vector<64x64xf32>
      %dot_general3A_101 = arith.constant dense<0.000000e+00> : vector<1024x64xf32>
      %dot_general3A_102 = tpu.matmul %get3A_97, %get3A_100, %dot_general3A_101 {dimension_numbers = #tpu.dot_dimension_numbers<[1], [0], [0], [1], [0, 0, 1, 1], [], []>, precision = #tpu.contract_precision<fp32>, transpose_lhs_hint = false} : vector<1024x64xf32>, vector<64x64xf32>, vector<1024x64xf32> -> vector<1024x64xf32>
      %get3A_103 = arith.constant 0 : index
      %get3A_104 = arith.constant 0 : index
      %get3A_105 = vector.load %arg4[%get3A_103, %get3A_104] : memref<1x64xf32, #tpu.memory_space<vmem>>, vector<1x64xf32>
      %add3A_106 = vector.broadcast %get3A_105 : vector<1x64xf32> to vector<1024x64xf32>
      %add3A_107 = arith.addf %dot_general3A_102, %add3A_106 : vector<1024x64xf32>
      %swap3A_108 = arith.constant 0 : index
      %swap3A_109 = arith.constant 0 : index
      %swap3A_110 = vector.load %arg9[%swap3A_108, %swap3A_109] : memref<1024x64xf32, #tpu.memory_space<vmem>>, vector<1024x64xf32>
      tpu.vector_store %arg9[%swap3A_108, %swap3A_109], %add3A_107 {strides = array<i32>} : memref<1024x64xf32, #tpu.memory_space<vmem>>, vector<1024x64xf32>,
      %broadcast_in_dim3A_111 = arith.constant 3.000000e+38 : f32
      %broadcast_in_dim3A_112 = vector.broadcast %broadcast_in_dim3A_111 : f32 to vector<1024x128xf32>
      %swap3A_113 = arith.constant 0 : index
      %swap3A_114 = arith.constant 0 : index
      %swap3A_115 = vector.load %arg10[%swap3A_113, %swap3A_114] : memref<1024x128xf32, #tpu.memory_space<vmem>>, vector<1024x128xf32>
      tpu.vector_store %arg10[%swap3A_113, %swap3A_114], %broadcast_in_dim3A_112 {strides = array<i32>} : memref<1024x128xf32, #tpu.memory_space<vmem>>, vector<1024x128xf32>,
      %broadcast_in_dim3A_116 = arith.constant 3.000000e+38 : f32
      %broadcast_in_dim3A_117 = vector.broadcast %broadcast_in_dim3A_116 : f32 to vector<1024x128xf32>
      %swap3A_118 = arith.constant 0 : index
      %swap3A_119 = arith.constant 0 : index
      %swap3A_120 = vector.load %arg11[%swap3A_118, %swap3A_119] : memref<1024x128xf32, #tpu.memory_space<vmem>>, vector<1024x128xf32>
      tpu.vector_store %arg11[%swap3A_118, %swap3A_119], %broadcast_in_dim3A_117 {strides = array<i32>} : memref<1024x128xf32, #tpu.memory_space<vmem>>, vector<1024x128xf32>,
      %broadcast_in_dim3A_121 = arith.constant 0 : i32
      %broadcast_in_dim3A_122 = vector.broadcast %broadcast_in_dim3A_121 : i32 to vector<1024x128xi32>
      %swap3A_123 = arith.constant 0 : index
      %swap3A_124 = arith.constant 0 : index
      %swap3A_125 = vector.load %arg12[%swap3A_123, %swap3A_124] : memref<1024x128xi32, #tpu.memory_space<vmem>>, vector<1024x128xi32>
      tpu.vector_store %arg12[%swap3A_123, %swap3A_124], %broadcast_in_dim3A_122 {strides = array<i32>} : memref<1024x128xi32, #tpu.memory_space<vmem>>, vector<1024x128xi32>,
      %broadcast_in_dim3A_126 = arith.constant 0 : i32
      %broadcast_in_dim3A_127 = vector.broadcast %broadcast_in_dim3A_126 : i32 to vector<1024x128xi32>
      %swap3A_128 = arith.constant 0 : index
      %swap3A_129 = arith.constant 0 : index
      %swap3A_130 = vector.load %arg13[%swap3A_128, %swap3A_129] : memref<1024x128xi32, #tpu.memory_space<vmem>>, vector<1024x128xi32>
      tpu.vector_store %arg13[%swap3A_128, %swap3A_129], %broadcast_in_dim3A_127 {strides = array<i32>} : memref<1024x128xi32, #tpu.memory_space<vmem>>, vector<1024x128xi32>,
    } else {
    }
    %get3A = arith.constant 0 : index
    %get3A_9 = arith.constant 0 : index
    %get3A_10 = vector.load %arg5[%get3A, %get3A_9] : memref<64x2048xbf16, #tpu.memory_space<vmem>>, vector<64x2048xbf16>
    %convert_element_type3A_11 = arith.extf %get3A_10 : vector<64x2048xbf16> to vector<64x2048xf32>
    %broadcast_in_dim3A = arith.constant 1.000000e+00 : f32
    %broadcast_in_dim3A_12 = vector.broadcast %broadcast_in_dim3A : f32 to vector<1x64xf32>
    %mul3A = arith.mulf %convert_element_type3A_11, %convert_element_type3A_11 : vector<64x2048xf32>
    %dot_general3A = arith.constant dense<0.000000e+00> : vector<1x2048xf32>
    %dot_general3A_13 = tpu.matmul %broadcast_in_dim3A_12, %mul3A, %dot_general3A {dimension_numbers = #tpu.dot_dimension_numbers<[1], [0], [0], [1], [0, 0, 1, 1], [], []>, precision = #tpu.contract_precision<fp32>, transpose_lhs_hint = false} : vector<1x64xf32>, vector<64x2048xf32>, vector<1x2048xf32> -> vector<1x2048xf32>
    %get3A_14 = arith.constant 0 : index
    %get3A_15 = arith.constant 0 : index
    %get3A_16 = vector.load %arg9[%get3A_14, %get3A_15] : memref<1024x64xf32, #tpu.memory_space<vmem>>, vector<1024x64xf32>
    %convert_element_type3A_17 = arith.truncf %get3A_16 : vector<1024x64xf32> to vector<1024x64xbf16>
    %dot_general3A_18 = arith.constant dense<0.000000e+00> : vector<1024x2048xf32>
    %dot_general3A_19 = tpu.matmul %convert_element_type3A_17, %get3A_10, %dot_general3A_18 {dimension_numbers = #tpu.dot_dimension_numbers<[1], [0], [0], [1], [0, 0, 1, 1], [], []>, transpose_lhs_hint = false} : vector<1024x64xbf16>, vector<64x2048xbf16>, vector<1024x2048xf32> -> vector<1024x2048xf32>
    %mul3A_20 = arith.constant 2.000000e+00 : f32
    %mul3A_21 = vector.broadcast %mul3A_20 : f32 to vector<1024x2048xf32>
    %mul3A_22 = arith.mulf %mul3A_21, %dot_general3A_19 : vector<1024x2048xf32>
    %sub3A = vector.broadcast %dot_general3A_13 : vector<1x2048xf32> to vector<1024x2048xf32>
    %sub3A_23 = arith.subf %sub3A, %mul3A_22 : vector<1024x2048xf32>
    %iota3A = tpu.iota {dimensions = array<i32: 1>} : vector<1024x2048xi32>
    %mul3A_24 = arith.constant 2048 : i32
    %mul3A_25 = arith.muli %arg1, %mul3A_24 : i32
    %add3A = vector.broadcast %mul3A_25 : i32 to vector<1024x2048xi32>
    %add3A_26 = arith.addi %iota3A, %add3A : vector<1024x2048xi32>
    %slice3A = vector.extract_strided_slice %sub3A_23 {offsets = [0, 0], sizes = [1024, 1024], strides = [1, 1]} : vector<1024x2048xf32> to vector<1024x1024xf32>
    %slice3A_27 = vector.extract_strided_slice %sub3A_23 {offsets = [0, 1024], sizes = [1024, 1024], strides = [1, 1]} : vector<1024x2048xf32> to vector<1024x1024xf32>
    %le3A = arith.cmpf ole, %slice3A, %slice3A_27 : vector<1024x1024xf32>
    %slice3A_28 = vector.extract_strided_slice %sub3A_23 {offsets = [0, 0], sizes = [1024, 1024], strides = [1, 1]} : vector<1024x2048xf32> to vector<1024x1024xf32>
    %slice3A_29 = vector.extract_strided_slice %sub3A_23 {offsets = [0, 1024], sizes = [1024, 1024], strides = [1, 1]} : vector<1024x2048xf32> to vector<1024x1024xf32>
    %select_n3A = arith.select %le3A, %slice3A_28, %slice3A_29 : vector<1024x1024xi1>, vector<1024x1024xf32>
    %slice3A_30 = vector.extract_strided_slice %add3A_26 {offsets = [0, 0], sizes = [1024, 1024], strides = [1, 1]} : vector<1024x2048xi32> to vector<1024x1024xi32>
    %slice3A_31 = vector.extract_strided_slice %add3A_26 {offsets = [0, 1024], sizes = [1024, 1024], strides = [1, 1]} : vector<1024x2048xi32> to vector<1024x1024xi32>
    %select_n3A_32 = arith.select %le3A, %slice3A_30, %slice3A_31 : vector<1024x1024xi1>, vector<1024x1024xi32>
    %slice3A_33 = vector.extract_strided_slice %select_n3A {offsets = [0, 0], sizes = [1024, 512], strides = [1, 1]} : vector<1024x1024xf32> to vector<1024x512xf32>
    %slice3A_34 = vector.extract_strided_slice %select_n3A {offsets = [0, 512], sizes = [1024, 512], strides = [1, 1]} : vector<1024x1024xf32> to vector<1024x512xf32>
    %le3A_35 = arith.cmpf ole, %slice3A_33, %slice3A_34 : vector<1024x512xf32>
    %slice3A_36 = vector.extract_strided_slice %select_n3A {offsets = [0, 0], sizes = [1024, 512], strides = [1, 1]} : vector<1024x1024xf32> to vector<1024x512xf32>
    %slice3A_37 = vector.extract_strided_slice %select_n3A {offsets = [0, 512], sizes = [1024, 512], strides = [1, 1]} : vector<1024x1024xf32> to vector<1024x512xf32>
    %select_n3A_38 = arith.select %le3A_35, %slice3A_36, %slice3A_37 : vector<1024x512xi1>, vector<1024x512xf32>
    %slice3A_39 = vector.extract_strided_slice %select_n3A_32 {offsets = [0, 0], sizes = [1024, 512], strides = [1, 1]} : vector<1024x1024xi32> to vector<1024x512xi32>
    %slice3A_40 = vector.extract_strided_slice %select_n3A_32 {offsets = [0, 512], sizes = [1024, 512], strides = [1, 1]} : vector<1024x1024xi32> to vector<1024x512xi32>
    %select_n3A_41 = arith.select %le3A_35, %slice3A_39, %slice3A_40 : vector<1024x512xi1>, vector<1024x512xi32>
    %slice3A_42 = vector.extract_strided_slice %select_n3A_38 {offsets = [0, 0], sizes = [1024, 256], strides = [1, 1]} : vector<1024x512xf32> to vector<1024x256xf32>
    %slice3A_43 = vector.extract_strided_slice %select_n3A_38 {offsets = [0, 256], sizes = [1024, 256], strides = [1, 1]} : vector<1024x512xf32> to vector<1024x256xf32>
    %le3A_44 = arith.cmpf ole, %slice3A_42, %slice3A_43 : vector<1024x256xf32>
    %slice3A_45 = vector.extract_strided_slice %select_n3A_38 {offsets = [0, 0], sizes = [1024, 256], strides = [1, 1]} : vector<1024x512xf32> to vector<1024x256xf32>
    %slice3A_46 = vector.extract_strided_slice %select_n3A_38 {offsets = [0, 256], sizes = [1024, 256], strides = [1, 1]} : vector<1024x512xf32> to vector<1024x256xf32>
    %select_n3A_47 = arith.select %le3A_44, %slice3A_45, %slice3A_46 : vector<1024x256xi1>, vector<1024x256xf32>
    %slice3A_48 = vector.extract_strided_slice %select_n3A_41 {offsets = [0, 0], sizes = [1024, 256], strides = [1, 1]} : vector<1024x512xi32> to vector<1024x256xi32>
    %slice3A_49 = vector.extract_strided_slice %select_n3A_41 {offsets = [0, 256], sizes = [1024, 256], strides = [1, 1]} : vector<1024x512xi32> to vector<1024x256xi32>
    %select_n3A_50 = arith.select %le3A_44, %slice3A_48, %slice3A_49 : vector<1024x256xi1>, vector<1024x256xi32>
    %slice3A_51 = vector.extract_strided_slice %select_n3A_47 {offsets = [0, 0], sizes = [1024, 128], strides = [1, 1]} : vector<1024x256xf32> to vector<1024x128xf32>
    %slice3A_52 = vector.extract_strided_slice %select_n3A_47 {offsets = [0, 128], sizes = [1024, 128], strides = [1, 1]} : vector<1024x256xf32> to vector<1024x128xf32>
    %le3A_53 = arith.cmpf ole, %slice3A_51, %slice3A_52 : vector<1024x128xf32>
    %slice3A_54 = vector.extract_strided_slice %select_n3A_47 {offsets = [0, 0], sizes = [1024, 128], strides = [1, 1]} : vector<1024x256xf32> to vector<1024x128xf32>
    %slice3A_55 = vector.extract_strided_slice %select_n3A_47 {offsets = [0, 128], sizes = [1024, 128], strides = [1, 1]} : vector<1024x256xf32> to vector<1024x128xf32>
    %select_n3A_56 = arith.select %le3A_53, %slice3A_54, %slice3A_55 : vector<1024x128xi1>, vector<1024x128xf32>
    %slice3A_57 = vector.extract_strided_slice %select_n3A_50 {offsets = [0, 0], sizes = [1024, 128], strides = [1, 1]} : vector<1024x256xi32> to vector<1024x128xi32>
    %slice3A_58 = vector.extract_strided_slice %select_n3A_50 {offsets = [0, 128], sizes = [1024, 128], strides = [1, 1]} : vector<1024x256xi32> to vector<1024x128xi32>
    %select_n3A_59 = arith.select %le3A_53, %slice3A_57, %slice3A_58 : vector<1024x128xi1>, vector<1024x128xi32>
    %get3A_60 = arith.constant 0 : index
    %get3A_61 = arith.constant 0 : index
    %get3A_62 = vector.load %arg10[%get3A_60, %get3A_61] : memref<1024x128xf32, #tpu.memory_space<vmem>>, vector<1024x128xf32>
    %lt3A = arith.cmpf olt, %select_n3A_56, %get3A_62 : vector<1024x128xf32>
    %select_n3A_63 = arith.select %lt3A, %select_n3A_56, %get3A_62 : vector<1024x128xi1>, vector<1024x128xf32>
    %select_n3A_64 = arith.select %lt3A, %get3A_62, %select_n3A_56 : vector<1024x128xi1>, vector<1024x128xf32>
    %get3A_65 = arith.constant 0 : index
    %get3A_66 = arith.constant 0 : index
    %get3A_67 = vector.load %arg12[%get3A_65, %get3A_66] : memref<1024x128xi32, #tpu.memory_space<vmem>>, vector<1024x128xi32>
    %select_n3A_68 = arith.select %lt3A, %select_n3A_59, %get3A_67 : vector<1024x128xi1>, vector<1024x128xi32>
    %select_n3A_69 = arith.select %lt3A, %get3A_67, %select_n3A_59 : vector<1024x128xi1>, vector<1024x128xi32>
    %get3A_70 = arith.constant 0 : index
    %get3A_71 = arith.constant 0 : index
    %get3A_72 = vector.load %arg11[%get3A_70, %get3A_71] : memref<1024x128xf32, #tpu.memory_space<vmem>>, vector<1024x128xf32>
    %lt3A_73 = arith.cmpf olt, %select_n3A_64, %get3A_72 : vector<1024x128xf32>
    %select_n3A_74 = arith.select %lt3A_73, %select_n3A_64, %get3A_72 : vector<1024x128xi1>, vector<1024x128xf32>
    %get3A_75 = arith.constant 0 : index
    %get3A_76 = arith.constant 0 : index
    %get3A_77 = vector.load %arg13[%get3A_75, %get3A_76] : memref<1024x128xi32, #tpu.memory_space<vmem>>, vector<1024x128xi32>
    %select_n3A_78 = arith.select %lt3A_73, %select_n3A_69, %get3A_77 : vector<1024x128xi1>, vector<1024x128xi32>
    %swap3A = arith.constant 0 : index
    %swap3A_79 = arith.constant 0 : index
    %swap3A_80 = vector.load %arg10[%swap3A, %swap3A_79] : memref<1024x128xf32, #tpu.memory_space<vmem>>, vector<1024x128xf32>
    tpu.vector_store %arg10[%swap3A, %swap3A_79], %select_n3A_63 {strides = array<i32>} : memref<1024x128xf32, #tpu.memory_space<vmem>>, vector<1024x128xf32>,
    %swap3A_81 = arith.constant 0 : index
    %swap3A_82 = arith.constant 0 : index
    %swap3A_83 = vector.load %arg11[%swap3A_81, %swap3A_82] : memref<1024x128xf32, #tpu.memory_space<vmem>>, vector<1024x128xf32>
    tpu.vector_store %arg11[%swap3A_81, %swap3A_82], %select_n3A_74 {strides = array<i32>} : memref<1024x128xf32, #tpu.memory_space<vmem>>, vector<1024x128xf32>,
    %swap3A_84 = arith.constant 0 : index
    %swap3A_85 = arith.constant 0 : index
    %swap3A_86 = vector.load %arg12[%swap3A_84, %swap3A_85] : memref<1024x128xi32, #tpu.memory_space<vmem>>, vector<1024x128xi32>
    tpu.vector_store %arg12[%swap3A_84, %swap3A_85], %select_n3A_68 {strides = array<i32>} : memref<1024x128xi32, #tpu.memory_space<vmem>>, vector<1024x128xi32>,
    %swap3A_87 = arith.constant 0 : index
    %swap3A_88 = arith.constant 0 : index
    %swap3A_89 = vector.load %arg13[%swap3A_87, %swap3A_88] : memref<1024x128xi32, #tpu.memory_space<vmem>>, vector<1024x128xi32>
    tpu.vector_store %arg13[%swap3A_87, %swap3A_88], %select_n3A_78 {strides = array<i32>} : memref<1024x128xi32, #tpu.memory_space<vmem>>, vector<1024x128xi32>,
    %eq3A_90 = arith.constant 48 : i32
    %eq3A_91 = arith.cmpi eq, %arg1, %eq3A_90 : i32
    %convert_element_type3A_92 = arith.extui %eq3A_91 : i1 to i32
    %cond3A_93 = arith.constant 0 : i32
    %cond3A_94 = arith.cmpi ne, %convert_element_type3A_92, %cond3A_93 : i32
    scf.if %cond3A_94 {
      %iota3A_95 = tpu.iota {dimensions = array<i32: 1>} : vector<1024x128xi32>
      %iota3A_96 = tpu.iota {dimensions = array<i32: 1>} : vector<1024x16xi32>
      %broadcast_in_dim3A_97 = arith.constant 0.000000e+00 : f32
      %broadcast_in_dim3A_98 = vector.broadcast %broadcast_in_dim3A_97 : f32 to vector<1024x16xf32>
      %broadcast_in_dim3A_99 = arith.constant 0 : i32
      %broadcast_in_dim3A_100 = vector.broadcast %broadcast_in_dim3A_99 : i32 to vector<1024x16xi32>
      %scan3A = arith.constant 0 : i32
      %scan3A_101 = arith.constant 16 : i32
      %scan3A_102 = arith.addi %scan3A, %scan3A_101 : i32
      %scan3A_103 = arith.constant 1 : i32
      %scan3A_104:2 = scf.for %scan3A_691 = %scan3A to %scan3A_102 step %scan3A_103 iter_args(%scan3A_692 = %broadcast_in_dim3A_98, %scan3A_693 = %broadcast_in_dim3A_100) -> (vector<1024x16xf32>, vector<1024x16xi32>)  : i32 {
        %get3A_694 = arith.constant 0 : index
        %get3A_695 = arith.constant 0 : index
        %get3A_696 = vector.load %arg10[%get3A_694, %get3A_695] : memref<1024x128xf32, #tpu.memory_space<vmem>>, vector<1024x128xf32>
        %reduce_min3A = arith.constant dense<0x7F800000> : vector<1024xf32>
        %reduce_min3A_697 = vector.multi_reduction <minimumf>, %get3A_696, %reduce_min3A [1] : vector<1024x128xf32> to vector<1024xf32>
        %broadcast_in_dim3A_698 = vector.shape_cast %reduce_min3A_697 : vector<1024xf32> to vector<1024x1xf32>
        %eq3A_699 = vector.broadcast %broadcast_in_dim3A_698 : vector<1024x1xf32> to vector<1024x128xf32>
        %eq3A_700 = arith.cmpf oeq, %get3A_696, %eq3A_699 : vector<1024x128xf32>
        %jit3A_701 = arith.constant 1073741824 : i32
        %broadcast_in_dim3A_702 = vector.broadcast %jit3A_701 : i32 to vector<1024x128xi32>
        %select_n3A_703 = arith.select %eq3A_700, %iota3A_95, %broadcast_in_dim3A_702 : vector<1024x128xi1>, vector<1024x128xi32>
        %reduce_min3A_704 = arith.constant dense<2147483647> : vector<1024xi32>
        %reduce_min3A_705 = vector.multi_reduction <minsi>, %select_n3A_703, %reduce_min3A_704 [1] : vector<1024x128xi32> to vector<1024xi32>
        %broadcast_in_dim3A_706 = vector.shape_cast %reduce_min3A_705 : vector<1024xi32> to vector<1024x1xi32>
        %eq3A_707 = vector.broadcast %broadcast_in_dim3A_706 : vector<1024x1xi32> to vector<1024x128xi32>
        %eq3A_708 = arith.cmpi eq, %iota3A_95, %eq3A_707 : vector<1024x128xi32>
        %get3A_709 = arith.constant 0 : index
        %get3A_710 = arith.constant 0 : index
        %get3A_711 = vector.load %arg12[%get3A_709, %get3A_710] : memref<1024x128xi32, #tpu.memory_space<vmem>>, vector<1024x128xi32>
        %jit3A_712 = arith.constant 0 : i32
        %broadcast_in_dim3A_713 = vector.broadcast %jit3A_712 : i32 to vector<1024x128xi32>
        %select_n3A_714 = arith.select %eq3A_708, %get3A_711, %broadcast_in_dim3A_713 : vector<1024x128xi1>, vector<1024x128xi32>
        %reduce_sum3A_715 = arith.constant dense<0> : vector<1024xi32>
        %reduce_sum3A_716 = vector.multi_reduction <add>, %select_n3A_714, %reduce_sum3A_715 [1] : vector<1024x128xi32> to vector<1024xi32>
        %broadcast_in_dim3A_717 = vector.shape_cast %reduce_sum3A_716 : vector<1024xi32> to vector<1024x1xi32>
        %eq3A_718 = vector.broadcast %scan3A_691 : i32 to vector<1024x16xi32>
        %eq3A_719 = arith.cmpi eq, %iota3A_96, %eq3A_718 : vector<1024x16xi32>
        %broadcast_in_dim3A_720 = vector.shape_cast %broadcast_in_dim3A_698 : vector<1024x1xf32> to vector<1024x1xf32>
        %broadcast_in_dim3A_721 = vector.broadcast %broadcast_in_dim3A_720 : vector<1024x1xf32> to vector<1024x16xf32>
        %select_n3A_722 = arith.select %eq3A_719, %broadcast_in_dim3A_721, %scan3A_692 : vector<1024x16xi1>, vector<1024x16xf32>
        %broadcast_in_dim3A_723 = vector.shape_cast %broadcast_in_dim3A_717 : vector<1024x1xi32> to vector<1024x1xi32>
        %broadcast_in_dim3A_724 = vector.broadcast %broadcast_in_dim3A_723 : vector<1024x1xi32> to vector<1024x16xi32>
        %select_n3A_725 = arith.select %eq3A_719, %broadcast_in_dim3A_724, %scan3A_693 : vector<1024x16xi1>, vector<1024x16xi32>
        %get3A_726 = arith.constant 0 : index
        %get3A_727 = arith.constant 0 : index
        %get3A_728 = vector.load %arg11[%get3A_726, %get3A_727] : memref<1024x128xf32, #tpu.memory_space<vmem>>, vector<1024x128xf32>
        %select_n3A_729 = arith.select %eq3A_708, %get3A_728, %get3A_696 : vector<1024x128xi1>, vector<1024x128xf32>
        %swap3A_730 = arith.constant 0 : index
        %swap3A_731 = arith.constant 0 : index
        %swap3A_732 = vector.load %arg10[%swap3A_730, %swap3A_731] : memref<1024x128xf32, #tpu.memory_space<vmem>>, vector<1024x128xf32>
        tpu.vector_store %arg10[%swap3A_730, %swap3A_731], %select_n3A_729 {strides = array<i32>} : memref<1024x128xf32, #tpu.memory_space<vmem>>, vector<1024x128xf32>,
        %get3A_733 = arith.constant 0 : index
        %get3A_734 = arith.constant 0 : index
        %get3A_735 = vector.load %arg13[%get3A_733, %get3A_734] : memref<1024x128xi32, #tpu.memory_space<vmem>>, vector<1024x128xi32>
        %get3A_736 = arith.constant 0 : index
        %get3A_737 = arith.constant 0 : index
        %get3A_738 = vector.load %arg12[%get3A_736, %get3A_737] : memref<1024x128xi32, #tpu.memory_space<vmem>>, vector<1024x128xi32>
        %select_n3A_739 = arith.select %eq3A_708, %get3A_735, %get3A_738 : vector<1024x128xi1>, vector<1024x128xi32>
        %swap3A_740 = arith.constant 0 : index
        %swap3A_741 = arith.constant 0 : index
        %swap3A_742 = vector.load %arg12[%swap3A_740, %swap3A_741] : memref<1024x128xi32, #tpu.memory_space<vmem>>, vector<1024x128xi32>
        tpu.vector_store %arg12[%swap3A_740, %swap3A_741], %select_n3A_739 {strides = array<i32>} : memref<1024x128xi32, #tpu.memory_space<vmem>>, vector<1024x128xi32>,
        %get3A_743 = arith.constant 0 : index
        %get3A_744 = arith.constant 0 : index
        %get3A_745 = vector.load %arg11[%get3A_743, %get3A_744] : memref<1024x128xf32, #tpu.memory_space<vmem>>, vector<1024x128xf32>
        %jit3A_746 = arith.constant 3.000000e+38 : f32
        %broadcast_in_dim3A_747 = vector.broadcast %jit3A_746 : f32 to vector<1024x128xf32>
        %select_n3A_748 = arith.select %eq3A_708, %broadcast_in_dim3A_747, %get3A_745 : vector<1024x128xi1>, vector<1024x128xf32>
        %swap3A_749 = arith.constant 0 : index
        %swap3A_750 = arith.constant 0 : index
        %swap3A_751 = vector.load %arg11[%swap3A_749, %swap3A_750] : memref<1024x128xf32, #tpu.memory_space<vmem>>, vector<1024x128xf32>
        tpu.vector_store %arg11[%swap3A_749, %swap3A_750], %select_n3A_748 {strides = array<i32>} : memref<1024x128xf32, #tpu.memory_space<vmem>>, vector<1024x128xf32>,
        scf.yield %select_n3A_722, %select_n3A_725 : vector<1024x16xf32>, vector<1024x16xi32>
      }
      %scan3A_105 = arith.constant 16 : i32
      %swap3A_106 = arith.constant 0 : index
      %swap3A_107 = arith.constant 0 : index
      %swap3A_108 = vector.load %arg14[%swap3A_106, %swap3A_107] : memref<1024x16xf32, #tpu.memory_space<vmem>>, vector<1024x16xf32>
      tpu.vector_store %arg14[%swap3A_106, %swap3A_107], %scan3A_104#0 {strides = array<i32>} : memref<1024x16xf32, #tpu.memory_space<vmem>>, vector<1024x16xf32>,
      %swap3A_109 = arith.constant 0 : index
      %swap3A_110 = arith.constant 0 : index
      %swap3A_111 = vector.load %arg15[%swap3A_109, %swap3A_110] : memref<1024x16xi32, #tpu.memory_space<vmem>>, vector<1024x16xi32>
      tpu.vector_store %arg15[%swap3A_109, %swap3A_110], %scan3A_104#1 {strides = array<i32>} : memref<1024x16xi32, #tpu.memory_space<vmem>>, vector<1024x16xi32>,
      %get3A_112 = arith.constant 0 : index
      %get3A_113 = arith.constant 0 : index
      %get3A_114 = vector.load %arg9[%get3A_112, %get3A_113] : memref<1024x64xf32, #tpu.memory_space<vmem>>, vector<1024x64xf32>
      %mul3A_115 = arith.mulf %get3A_114, %get3A_114 : vector<1024x64xf32>
      %reduce_sum3A = arith.constant dense<0.000000e+00> : vector<1024xf32>
      %reduce_sum3A_116 = vector.multi_reduction <add>, %mul3A_115, %reduce_sum3A [1] : vector<1024x64xf32> to vector<1024xf32>
      %broadcast_in_dim3A_117 = vector.shape_cast %reduce_sum3A_116 : vector<1024xf32> to vector<1024x1xf32>
      %get3A_118 = arith.constant 0 : index
      %get3A_119 = arith.constant 0 : index
      %get3A_120 = vector.load %arg14[%get3A_118, %get3A_119] : memref<1024x16xf32, #tpu.memory_space<vmem>>, vector<1024x16xf32>
      %add3A_121 = vector.broadcast %broadcast_in_dim3A_117 : vector<1024x1xf32> to vector<1024x16xf32>
      %add3A_122 = arith.addf %get3A_120, %add3A_121 : vector<1024x16xf32>
      %neg3A = arith.constant 0.000000e+00 : f32
      %neg3A_123 = vector.broadcast %neg3A : f32 to vector<1024x16xf32>
      %neg3A_124 = arith.subf %neg3A_123, %add3A_122 : vector<1024x16xf32>
      %div3A = arith.constant 1.000000e-01 : f32
      %div3A_125 = vector.broadcast %div3A : f32 to vector<1024x16xf32>
      %div3A_126 = arith.divf %neg3A_124, %div3A_125 : vector<1024x16xf32>
      %reduce_max3A = arith.constant dense<0xFF800000> : vector<1024xf32>
      %reduce_max3A_127 = vector.multi_reduction <maximumf>, %div3A_126, %reduce_max3A [1] : vector<1024x16xf32> to vector<1024xf32>
      %broadcast_in_dim3A_128 = vector.shape_cast %reduce_max3A_127 : vector<1024xf32> to vector<1024x1xf32>
      %sub3A_129 = vector.broadcast %broadcast_in_dim3A_128 : vector<1024x1xf32> to vector<1024x16xf32>
      %sub3A_130 = arith.subf %div3A_126, %sub3A_129 : vector<1024x16xf32>
      %exp3A = math.exp %sub3A_130 : vector<1024x16xf32>
      %reduce_sum3A_131 = arith.constant dense<0.000000e+00> : vector<1024xf32>
      %reduce_sum3A_132 = vector.multi_reduction <add>, %exp3A, %reduce_sum3A_131 [1] : vector<1024x16xf32> to vector<1024xf32>
      %broadcast_in_dim3A_133 = vector.shape_cast %reduce_sum3A_132 : vector<1024xf32> to vector<1024x1xf32>
      %div3A_134 = vector.broadcast %broadcast_in_dim3A_133 : vector<1024x1xf32> to vector<1024x16xf32>
      %div3A_135 = arith.divf %exp3A, %div3A_134 : vector<1024x16xf32>
      %get3A_136 = arith.constant 0 : index
      %get3A_137 = arith.constant 0 : index
      %get3A_138 = vector.load %arg6[%get3A_136, %get3A_137] : memref<1024x16xi32, #tpu.memory_space<vmem>>, vector<1024x16xi32>
      %get3A_139 = arith.constant 0 : index
      %get3A_140 = arith.constant 0 : index
      %get3A_141 = vector.load %arg7[%get3A_139, %get3A_140] : memref<1024x16xf32, #tpu.memory_space<vmem>>, vector<1024x16xf32>
      %get3A_142 = arith.constant 0 : index
      %get3A_143 = arith.constant 0 : index
      %get3A_144 = vector.load %arg15[%get3A_142, %get3A_143] : memref<1024x16xi32, #tpu.memory_space<vmem>>, vector<1024x16xi32>
      %broadcast_in_dim3A_145 = arith.constant 0.000000e+00 : f32
      %broadcast_in_dim3A_146 = vector.broadcast %broadcast_in_dim3A_145 : f32 to vector<1024x16xf32>
      %broadcast_in_dim3A_147 = arith.constant 0.000000e+00 : f32
      %broadcast_in_dim3A_148 = vector.broadcast %broadcast_in_dim3A_147 : f32 to vector<1024x16xf32>
      %swap3A_149 = arith.constant 0 : index
      %swap3A_150 = arith.constant 0 : index
      %swap3A_151 = vector.load %arg16[%swap3A_149, %swap3A_150] : memref<1024x16xf32, #tpu.memory_space<vmem>>, vector<1024x16xf32>
      tpu.vector_store %arg16[%swap3A_149, %swap3A_150], %broadcast_in_dim3A_148 {strides = array<i32>} : memref<1024x16xf32, #tpu.memory_space<vmem>>, vector<1024x16xf32>,
      %slice3A_152 = vector.extract_strided_slice %get3A_144 {offsets = [0, 0], sizes = [1024, 1], strides = [1, 1]} : vector<1024x16xi32> to vector<1024x1xi32>
      %slice3A_153 = vector.extract_strided_slice %div3A_135 {offsets = [0, 0], sizes = [1024, 1], strides = [1, 1]} : vector<1024x16xf32> to vector<1024x1xf32>
      %eq3A_154 = vector.broadcast %slice3A_152 : vector<1024x1xi32> to vector<1024x16xi32>
      %eq3A_155 = arith.cmpi eq, %get3A_138, %eq3A_154 : vector<1024x16xi32>
      %jit3A = arith.constant 0.000000e+00 : f32
      %broadcast_in_dim3A_156 = vector.shape_cast %slice3A_153 : vector<1024x1xf32> to vector<1024x1xf32>
      %broadcast_in_dim3A_157 = vector.broadcast %broadcast_in_dim3A_156 : vector<1024x1xf32> to vector<1024x16xf32>
      %broadcast_in_dim3A_158 = vector.broadcast %jit3A : f32 to vector<1024x16xf32>
      %select_n3A_159 = arith.select %eq3A_155, %broadcast_in_dim3A_157, %broadcast_in_dim3A_158 : vector<1024x16xi1>, vector<1024x16xf32>
      %add3A_160 = arith.addf %broadcast_in_dim3A_146, %select_n3A_159 : vector<1024x16xf32>
      %reduce_or3A = arith.constant 1.000000e+00 : f32
      %reduce_or3A_161 = arith.constant 0.000000e+00 : f32
      %reduce_or3A_162 = vector.broadcast %reduce_or3A : f32 to vector<1024x16xf32>
      %reduce_or3A_163 = vector.broadcast %reduce_or3A_161 : f32 to vector<1024x16xf32>
      %reduce_or3A_164 = arith.select %eq3A_155, %reduce_or3A_162, %reduce_or3A_163 : vector<1024x16xi1>, vector<1024x16xf32>
      %reduce_or3A_165 = arith.constant dense<0xFF800000> : vector<1024xf32>
      %reduce_or3A_166 = vector.multi_reduction <maximumf>, %reduce_or3A_164, %reduce_or3A_165 [1] : vector<1024x16xf32> to vector<1024xf32>
      %reduce_or3A_167 = arith.constant 0.000000e+00 : f32
      %reduce_or3A_168 = vector.broadcast %reduce_or3A_167 : f32 to vector<1024xf32>
      %reduce_or3A_169 = arith.cmpf ogt, %reduce_or3A_166, %reduce_or3A_168 : vector<1024xf32>
      %broadcast_in_dim3A_170 = vector.shape_cast %reduce_or3A_169 : vector<1024xi1> to vector<1024x1xi1>
      %jit3A_171 = arith.constant 1.000000e+00 : f32
      %jit3A_172 = arith.constant 0.000000e+00 : f32
      %broadcast_in_dim3A_173 = vector.broadcast %jit3A_171 : f32 to vector<1024x1xf32>
      %broadcast_in_dim3A_174 = vector.broadcast %jit3A_172 : f32 to vector<1024x1xf32>
      %select_n3A_175 = arith.select %broadcast_in_dim3A_170, %broadcast_in_dim3A_173, %broadcast_in_dim3A_174 : vector<1024x1xi1>, vector<1024x1xf32>
      %swap3A_176 = arith.constant 0 : index
      %swap3A_177 = arith.constant 0 : index
      %swap3A_178 = vector.load %arg16[%swap3A_176, %swap3A_177] : memref<1024x16xf32, #tpu.memory_space<vmem>>, vector<1024x1xf32>
      tpu.vector_store %arg16[%swap3A_176, %swap3A_177], %select_n3A_175 {strides = array<i32>} : memref<1024x16xf32, #tpu.memory_space<vmem>>, vector<1024x1xf32>,
      %slice3A_179 = vector.extract_strided_slice %get3A_144 {offsets = [0, 1], sizes = [1024, 1], strides = [1, 1]} : vector<1024x16xi32> to vector<1024x1xi32>
      %slice3A_180 = vector.extract_strided_slice %div3A_135 {offsets = [0, 1], sizes = [1024, 1], strides = [1, 1]} : vector<1024x16xf32> to vector<1024x1xf32>
      %eq3A_181 = vector.broadcast %slice3A_179 : vector<1024x1xi32> to vector<1024x16xi32>
      %eq3A_182 = arith.cmpi eq, %get3A_138, %eq3A_181 : vector<1024x16xi32>
      %jit3A_183 = arith.constant 0.000000e+00 : f32
      %broadcast_in_dim3A_184 = vector.shape_cast %slice3A_180 : vector<1024x1xf32> to vector<1024x1xf32>
      %broadcast_in_dim3A_185 = vector.broadcast %broadcast_in_dim3A_184 : vector<1024x1xf32> to vector<1024x16xf32>
      %broadcast_in_dim3A_186 = vector.broadcast %jit3A_183 : f32 to vector<1024x16xf32>
      %select_n3A_187 = arith.select %eq3A_182, %broadcast_in_dim3A_185, %broadcast_in_dim3A_186 : vector<1024x16xi1>, vector<1024x16xf32>
      %add3A_188 = arith.addf %add3A_160, %select_n3A_187 : vector<1024x16xf32>
      %reduce_or3A_189 = arith.constant 1.000000e+00 : f32
      %reduce_or3A_190 = arith.constant 0.000000e+00 : f32
      %reduce_or3A_191 = vector.broadcast %reduce_or3A_189 : f32 to vector<1024x16xf32>
      %reduce_or3A_192 = vector.broadcast %reduce_or3A_190 : f32 to vector<1024x16xf32>
      %reduce_or3A_193 = arith.select %eq3A_182, %reduce_or3A_191, %reduce_or3A_192 : vector<1024x16xi1>, vector<1024x16xf32>
      %reduce_or3A_194 = arith.constant dense<0xFF800000> : vector<1024xf32>
      %reduce_or3A_195 = vector.multi_reduction <maximumf>, %reduce_or3A_193, %reduce_or3A_194 [1] : vector<1024x16xf32> to vector<1024xf32>
      %reduce_or3A_196 = arith.constant 0.000000e+00 : f32
      %reduce_or3A_197 = vector.broadcast %reduce_or3A_196 : f32 to vector<1024xf32>
      %reduce_or3A_198 = arith.cmpf ogt, %reduce_or3A_195, %reduce_or3A_197 : vector<1024xf32>
      %broadcast_in_dim3A_199 = vector.shape_cast %reduce_or3A_198 : vector<1024xi1> to vector<1024x1xi1>
      %jit3A_200 = arith.constant 1.000000e+00 : f32
      %jit3A_201 = arith.constant 0.000000e+00 : f32
      %broadcast_in_dim3A_202 = vector.broadcast %jit3A_200 : f32 to vector<1024x1xf32>
      %broadcast_in_dim3A_203 = vector.broadcast %jit3A_201 : f32 to vector<1024x1xf32>
      %select_n3A_204 = arith.select %broadcast_in_dim3A_199, %broadcast_in_dim3A_202, %broadcast_in_dim3A_203 : vector<1024x1xi1>, vector<1024x1xf32>
      %swap3A_205 = arith.constant 0 : index
      %swap3A_206 = arith.constant 1 : index
      %swap3A_207 = vector.load %arg16[%swap3A_205, %swap3A_206] : memref<1024x16xf32, #tpu.memory_space<vmem>>, vector<1024x1xf32>
      tpu.vector_store %arg16[%swap3A_205, %swap3A_206], %select_n3A_204 {strides = array<i32>} : memref<1024x16xf32, #tpu.memory_space<vmem>>, vector<1024x1xf32>,
      %slice3A_208 = vector.extract_strided_slice %get3A_144 {offsets = [0, 2], sizes = [1024, 1], strides = [1, 1]} : vector<1024x16xi32> to vector<1024x1xi32>
      %slice3A_209 = vector.extract_strided_slice %div3A_135 {offsets = [0, 2], sizes = [1024, 1], strides = [1, 1]} : vector<1024x16xf32> to vector<1024x1xf32>
      %eq3A_210 = vector.broadcast %slice3A_208 : vector<1024x1xi32> to vector<1024x16xi32>
      %eq3A_211 = arith.cmpi eq, %get3A_138, %eq3A_210 : vector<1024x16xi32>
      %jit3A_212 = arith.constant 0.000000e+00 : f32
      %broadcast_in_dim3A_213 = vector.shape_cast %slice3A_209 : vector<1024x1xf32> to vector<1024x1xf32>
      %broadcast_in_dim3A_214 = vector.broadcast %broadcast_in_dim3A_213 : vector<1024x1xf32> to vector<1024x16xf32>
      %broadcast_in_dim3A_215 = vector.broadcast %jit3A_212 : f32 to vector<1024x16xf32>
      %select_n3A_216 = arith.select %eq3A_211, %broadcast_in_dim3A_214, %broadcast_in_dim3A_215 : vector<1024x16xi1>, vector<1024x16xf32>
      %add3A_217 = arith.addf %add3A_188, %select_n3A_216 : vector<1024x16xf32>
      %reduce_or3A_218 = arith.constant 1.000000e+00 : f32
      %reduce_or3A_219 = arith.constant 0.000000e+00 : f32
      %reduce_or3A_220 = vector.broadcast %reduce_or3A_218 : f32 to vector<1024x16xf32>
      %reduce_or3A_221 = vector.broadcast %reduce_or3A_219 : f32 to vector<1024x16xf32>
      %reduce_or3A_222 = arith.select %eq3A_211, %reduce_or3A_220, %reduce_or3A_221 : vector<1024x16xi1>, vector<1024x16xf32>
      %reduce_or3A_223 = arith.constant dense<0xFF800000> : vector<1024xf32>
      %reduce_or3A_224 = vector.multi_reduction <maximumf>, %reduce_or3A_222, %reduce_or3A_223 [1] : vector<1024x16xf32> to vector<1024xf32>
      %reduce_or3A_225 = arith.constant 0.000000e+00 : f32
      %reduce_or3A_226 = vector.broadcast %reduce_or3A_225 : f32 to vector<1024xf32>
      %reduce_or3A_227 = arith.cmpf ogt, %reduce_or3A_224, %reduce_or3A_226 : vector<1024xf32>
      %broadcast_in_dim3A_228 = vector.shape_cast %reduce_or3A_227 : vector<1024xi1> to vector<1024x1xi1>
      %jit3A_229 = arith.constant 1.000000e+00 : f32
      %jit3A_230 = arith.constant 0.000000e+00 : f32
      %broadcast_in_dim3A_231 = vector.broadcast %jit3A_229 : f32 to vector<1024x1xf32>
      %broadcast_in_dim3A_232 = vector.broadcast %jit3A_230 : f32 to vector<1024x1xf32>
      %select_n3A_233 = arith.select %broadcast_in_dim3A_228, %broadcast_in_dim3A_231, %broadcast_in_dim3A_232 : vector<1024x1xi1>, vector<1024x1xf32>
      %swap3A_234 = arith.constant 0 : index
      %swap3A_235 = arith.constant 2 : index
      %swap3A_236 = vector.load %arg16[%swap3A_234, %swap3A_235] : memref<1024x16xf32, #tpu.memory_space<vmem>>, vector<1024x1xf32>
      tpu.vector_store %arg16[%swap3A_234, %swap3A_235], %select_n3A_233 {strides = array<i32>} : memref<1024x16xf32, #tpu.memory_space<vmem>>, vector<1024x1xf32>,
      %slice3A_237 = vector.extract_strided_slice %get3A_144 {offsets = [0, 3], sizes = [1024, 1], strides = [1, 1]} : vector<1024x16xi32> to vector<1024x1xi32>
      %slice3A_238 = vector.extract_strided_slice %div3A_135 {offsets = [0, 3], sizes = [1024, 1], strides = [1, 1]} : vector<1024x16xf32> to vector<1024x1xf32>
      %eq3A_239 = vector.broadcast %slice3A_237 : vector<1024x1xi32> to vector<1024x16xi32>
      %eq3A_240 = arith.cmpi eq, %get3A_138, %eq3A_239 : vector<1024x16xi32>
      %jit3A_241 = arith.constant 0.000000e+00 : f32
      %broadcast_in_dim3A_242 = vector.shape_cast %slice3A_238 : vector<1024x1xf32> to vector<1024x1xf32>
      %broadcast_in_dim3A_243 = vector.broadcast %broadcast_in_dim3A_242 : vector<1024x1xf32> to vector<1024x16xf32>
      %broadcast_in_dim3A_244 = vector.broadcast %jit3A_241 : f32 to vector<1024x16xf32>
      %select_n3A_245 = arith.select %eq3A_240, %broadcast_in_dim3A_243, %broadcast_in_dim3A_244 : vector<1024x16xi1>, vector<1024x16xf32>
      %add3A_246 = arith.addf %add3A_217, %select_n3A_245 : vector<1024x16xf32>
      %reduce_or3A_247 = arith.constant 1.000000e+00 : f32
      %reduce_or3A_248 = arith.constant 0.000000e+00 : f32
      %reduce_or3A_249 = vector.broadcast %reduce_or3A_247 : f32 to vector<1024x16xf32>
      %reduce_or3A_250 = vector.broadcast %reduce_or3A_248 : f32 to vector<1024x16xf32>
      %reduce_or3A_251 = arith.select %eq3A_240, %reduce_or3A_249, %reduce_or3A_250 : vector<1024x16xi1>, vector<1024x16xf32>
      %reduce_or3A_252 = arith.constant dense<0xFF800000> : vector<1024xf32>
      %reduce_or3A_253 = vector.multi_reduction <maximumf>, %reduce_or3A_251, %reduce_or3A_252 [1] : vector<1024x16xf32> to vector<1024xf32>
      %reduce_or3A_254 = arith.constant 0.000000e+00 : f32
      %reduce_or3A_255 = vector.broadcast %reduce_or3A_254 : f32 to vector<1024xf32>
      %reduce_or3A_256 = arith.cmpf ogt, %reduce_or3A_253, %reduce_or3A_255 : vector<1024xf32>
      %broadcast_in_dim3A_257 = vector.shape_cast %reduce_or3A_256 : vector<1024xi1> to vector<1024x1xi1>
      %jit3A_258 = arith.constant 1.000000e+00 : f32
      %jit3A_259 = arith.constant 0.000000e+00 : f32
      %broadcast_in_dim3A_260 = vector.broadcast %jit3A_258 : f32 to vector<1024x1xf32>
      %broadcast_in_dim3A_261 = vector.broadcast %jit3A_259 : f32 to vector<1024x1xf32>
      %select_n3A_262 = arith.select %broadcast_in_dim3A_257, %broadcast_in_dim3A_260, %broadcast_in_dim3A_261 : vector<1024x1xi1>, vector<1024x1xf32>
      %swap3A_263 = arith.constant 0 : index
      %swap3A_264 = arith.constant 3 : index
      %swap3A_265 = vector.load %arg16[%swap3A_263, %swap3A_264] : memref<1024x16xf32, #tpu.memory_space<vmem>>, vector<1024x1xf32>
      tpu.vector_store %arg16[%swap3A_263, %swap3A_264], %select_n3A_262 {strides = array<i32>} : memref<1024x16xf32, #tpu.memory_space<vmem>>, vector<1024x1xf32>,
      %slice3A_266 = vector.extract_strided_slice %get3A_144 {offsets = [0, 4], sizes = [1024, 1], strides = [1, 1]} : vector<1024x16xi32> to vector<1024x1xi32>
      %slice3A_267 = vector.extract_strided_slice %div3A_135 {offsets = [0, 4], sizes = [1024, 1], strides = [1, 1]} : vector<1024x16xf32> to vector<1024x1xf32>
      %eq3A_268 = vector.broadcast %slice3A_266 : vector<1024x1xi32> to vector<1024x16xi32>
      %eq3A_269 = arith.cmpi eq, %get3A_138, %eq3A_268 : vector<1024x16xi32>
      %jit3A_270 = arith.constant 0.000000e+00 : f32
      %broadcast_in_dim3A_271 = vector.shape_cast %slice3A_267 : vector<1024x1xf32> to vector<1024x1xf32>
      %broadcast_in_dim3A_272 = vector.broadcast %broadcast_in_dim3A_271 : vector<1024x1xf32> to vector<1024x16xf32>
      %broadcast_in_dim3A_273 = vector.broadcast %jit3A_270 : f32 to vector<1024x16xf32>
      %select_n3A_274 = arith.select %eq3A_269, %broadcast_in_dim3A_272, %broadcast_in_dim3A_273 : vector<1024x16xi1>, vector<1024x16xf32>
      %add3A_275 = arith.addf %add3A_246, %select_n3A_274 : vector<1024x16xf32>
      %reduce_or3A_276 = arith.constant 1.000000e+00 : f32
      %reduce_or3A_277 = arith.constant 0.000000e+00 : f32
      %reduce_or3A_278 = vector.broadcast %reduce_or3A_276 : f32 to vector<1024x16xf32>
      %reduce_or3A_279 = vector.broadcast %reduce_or3A_277 : f32 to vector<1024x16xf32>
      %reduce_or3A_280 = arith.select %eq3A_269, %reduce_or3A_278, %reduce_or3A_279 : vector<1024x16xi1>, vector<1024x16xf32>
      %reduce_or3A_281 = arith.constant dense<0xFF800000> : vector<1024xf32>
      %reduce_or3A_282 = vector.multi_reduction <maximumf>, %reduce_or3A_280, %reduce_or3A_281 [1] : vector<1024x16xf32> to vector<1024xf32>
      %reduce_or3A_283 = arith.constant 0.000000e+00 : f32
      %reduce_or3A_284 = vector.broadcast %reduce_or3A_283 : f32 to vector<1024xf32>
      %reduce_or3A_285 = arith.cmpf ogt, %reduce_or3A_282, %reduce_or3A_284 : vector<1024xf32>
      %broadcast_in_dim3A_286 = vector.shape_cast %reduce_or3A_285 : vector<1024xi1> to vector<1024x1xi1>
      %jit3A_287 = arith.constant 1.000000e+00 : f32
      %jit3A_288 = arith.constant 0.000000e+00 : f32
      %broadcast_in_dim3A_289 = vector.broadcast %jit3A_287 : f32 to vector<1024x1xf32>
      %broadcast_in_dim3A_290 = vector.broadcast %jit3A_288 : f32 to vector<1024x1xf32>
      %select_n3A_291 = arith.select %broadcast_in_dim3A_286, %broadcast_in_dim3A_289, %broadcast_in_dim3A_290 : vector<1024x1xi1>, vector<1024x1xf32>
      %swap3A_292 = arith.constant 0 : index
      %swap3A_293 = arith.constant 4 : index
      %swap3A_294 = vector.load %arg16[%swap3A_292, %swap3A_293] : memref<1024x16xf32, #tpu.memory_space<vmem>>, vector<1024x1xf32>
      tpu.vector_store %arg16[%swap3A_292, %swap3A_293], %select_n3A_291 {strides = array<i32>} : memref<1024x16xf32, #tpu.memory_space<vmem>>, vector<1024x1xf32>,
      %slice3A_295 = vector.extract_strided_slice %get3A_144 {offsets = [0, 5], sizes = [1024, 1], strides = [1, 1]} : vector<1024x16xi32> to vector<1024x1xi32>
      %slice3A_296 = vector.extract_strided_slice %div3A_135 {offsets = [0, 5], sizes = [1024, 1], strides = [1, 1]} : vector<1024x16xf32> to vector<1024x1xf32>
      %eq3A_297 = vector.broadcast %slice3A_295 : vector<1024x1xi32> to vector<1024x16xi32>
      %eq3A_298 = arith.cmpi eq, %get3A_138, %eq3A_297 : vector<1024x16xi32>
      %jit3A_299 = arith.constant 0.000000e+00 : f32
      %broadcast_in_dim3A_300 = vector.shape_cast %slice3A_296 : vector<1024x1xf32> to vector<1024x1xf32>
      %broadcast_in_dim3A_301 = vector.broadcast %broadcast_in_dim3A_300 : vector<1024x1xf32> to vector<1024x16xf32>
      %broadcast_in_dim3A_302 = vector.broadcast %jit3A_299 : f32 to vector<1024x16xf32>
      %select_n3A_303 = arith.select %eq3A_298, %broadcast_in_dim3A_301, %broadcast_in_dim3A_302 : vector<1024x16xi1>, vector<1024x16xf32>
      %add3A_304 = arith.addf %add3A_275, %select_n3A_303 : vector<1024x16xf32>
      %reduce_or3A_305 = arith.constant 1.000000e+00 : f32
      %reduce_or3A_306 = arith.constant 0.000000e+00 : f32
      %reduce_or3A_307 = vector.broadcast %reduce_or3A_305 : f32 to vector<1024x16xf32>
      %reduce_or3A_308 = vector.broadcast %reduce_or3A_306 : f32 to vector<1024x16xf32>
      %reduce_or3A_309 = arith.select %eq3A_298, %reduce_or3A_307, %reduce_or3A_308 : vector<1024x16xi1>, vector<1024x16xf32>
      %reduce_or3A_310 = arith.constant dense<0xFF800000> : vector<1024xf32>
      %reduce_or3A_311 = vector.multi_reduction <maximumf>, %reduce_or3A_309, %reduce_or3A_310 [1] : vector<1024x16xf32> to vector<1024xf32>
      %reduce_or3A_312 = arith.constant 0.000000e+00 : f32
      %reduce_or3A_313 = vector.broadcast %reduce_or3A_312 : f32 to vector<1024xf32>
      %reduce_or3A_314 = arith.cmpf ogt, %reduce_or3A_311, %reduce_or3A_313 : vector<1024xf32>
      %broadcast_in_dim3A_315 = vector.shape_cast %reduce_or3A_314 : vector<1024xi1> to vector<1024x1xi1>
      %jit3A_316 = arith.constant 1.000000e+00 : f32
      %jit3A_317 = arith.constant 0.000000e+00 : f32
      %broadcast_in_dim3A_318 = vector.broadcast %jit3A_316 : f32 to vector<1024x1xf32>
      %broadcast_in_dim3A_319 = vector.broadcast %jit3A_317 : f32 to vector<1024x1xf32>
      %select_n3A_320 = arith.select %broadcast_in_dim3A_315, %broadcast_in_dim3A_318, %broadcast_in_dim3A_319 : vector<1024x1xi1>, vector<1024x1xf32>
      %swap3A_321 = arith.constant 0 : index
      %swap3A_322 = arith.constant 5 : index
      %swap3A_323 = vector.load %arg16[%swap3A_321, %swap3A_322] : memref<1024x16xf32, #tpu.memory_space<vmem>>, vector<1024x1xf32>
      tpu.vector_store %arg16[%swap3A_321, %swap3A_322], %select_n3A_320 {strides = array<i32>} : memref<1024x16xf32, #tpu.memory_space<vmem>>, vector<1024x1xf32>,
      %slice3A_324 = vector.extract_strided_slice %get3A_144 {offsets = [0, 6], sizes = [1024, 1], strides = [1, 1]} : vector<1024x16xi32> to vector<1024x1xi32>
      %slice3A_325 = vector.extract_strided_slice %div3A_135 {offsets = [0, 6], sizes = [1024, 1], strides = [1, 1]} : vector<1024x16xf32> to vector<1024x1xf32>
      %eq3A_326 = vector.broadcast %slice3A_324 : vector<1024x1xi32> to vector<1024x16xi32>
      %eq3A_327 = arith.cmpi eq, %get3A_138, %eq3A_326 : vector<1024x16xi32>
      %jit3A_328 = arith.constant 0.000000e+00 : f32
      %broadcast_in_dim3A_329 = vector.shape_cast %slice3A_325 : vector<1024x1xf32> to vector<1024x1xf32>
      %broadcast_in_dim3A_330 = vector.broadcast %broadcast_in_dim3A_329 : vector<1024x1xf32> to vector<1024x16xf32>
      %broadcast_in_dim3A_331 = vector.broadcast %jit3A_328 : f32 to vector<1024x16xf32>
      %select_n3A_332 = arith.select %eq3A_327, %broadcast_in_dim3A_330, %broadcast_in_dim3A_331 : vector<1024x16xi1>, vector<1024x16xf32>
      %add3A_333 = arith.addf %add3A_304, %select_n3A_332 : vector<1024x16xf32>
      %reduce_or3A_334 = arith.constant 1.000000e+00 : f32
      %reduce_or3A_335 = arith.constant 0.000000e+00 : f32
      %reduce_or3A_336 = vector.broadcast %reduce_or3A_334 : f32 to vector<1024x16xf32>
      %reduce_or3A_337 = vector.broadcast %reduce_or3A_335 : f32 to vector<1024x16xf32>
      %reduce_or3A_338 = arith.select %eq3A_327, %reduce_or3A_336, %reduce_or3A_337 : vector<1024x16xi1>, vector<1024x16xf32>
      %reduce_or3A_339 = arith.constant dense<0xFF800000> : vector<1024xf32>
      %reduce_or3A_340 = vector.multi_reduction <maximumf>, %reduce_or3A_338, %reduce_or3A_339 [1] : vector<1024x16xf32> to vector<1024xf32>
      %reduce_or3A_341 = arith.constant 0.000000e+00 : f32
      %reduce_or3A_342 = vector.broadcast %reduce_or3A_341 : f32 to vector<1024xf32>
      %reduce_or3A_343 = arith.cmpf ogt, %reduce_or3A_340, %reduce_or3A_342 : vector<1024xf32>
      %broadcast_in_dim3A_344 = vector.shape_cast %reduce_or3A_343 : vector<1024xi1> to vector<1024x1xi1>
      %jit3A_345 = arith.constant 1.000000e+00 : f32
      %jit3A_346 = arith.constant 0.000000e+00 : f32
      %broadcast_in_dim3A_347 = vector.broadcast %jit3A_345 : f32 to vector<1024x1xf32>
      %broadcast_in_dim3A_348 = vector.broadcast %jit3A_346 : f32 to vector<1024x1xf32>
      %select_n3A_349 = arith.select %broadcast_in_dim3A_344, %broadcast_in_dim3A_347, %broadcast_in_dim3A_348 : vector<1024x1xi1>, vector<1024x1xf32>
      %swap3A_350 = arith.constant 0 : index
      %swap3A_351 = arith.constant 6 : index
      %swap3A_352 = vector.load %arg16[%swap3A_350, %swap3A_351] : memref<1024x16xf32, #tpu.memory_space<vmem>>, vector<1024x1xf32>
      tpu.vector_store %arg16[%swap3A_350, %swap3A_351], %select_n3A_349 {strides = array<i32>} : memref<1024x16xf32, #tpu.memory_space<vmem>>, vector<1024x1xf32>,
      %slice3A_353 = vector.extract_strided_slice %get3A_144 {offsets = [0, 7], sizes = [1024, 1], strides = [1, 1]} : vector<1024x16xi32> to vector<1024x1xi32>
      %slice3A_354 = vector.extract_strided_slice %div3A_135 {offsets = [0, 7], sizes = [1024, 1], strides = [1, 1]} : vector<1024x16xf32> to vector<1024x1xf32>
      %eq3A_355 = vector.broadcast %slice3A_353 : vector<1024x1xi32> to vector<1024x16xi32>
      %eq3A_356 = arith.cmpi eq, %get3A_138, %eq3A_355 : vector<1024x16xi32>
      %jit3A_357 = arith.constant 0.000000e+00 : f32
      %broadcast_in_dim3A_358 = vector.shape_cast %slice3A_354 : vector<1024x1xf32> to vector<1024x1xf32>
      %broadcast_in_dim3A_359 = vector.broadcast %broadcast_in_dim3A_358 : vector<1024x1xf32> to vector<1024x16xf32>
      %broadcast_in_dim3A_360 = vector.broadcast %jit3A_357 : f32 to vector<1024x16xf32>
      %select_n3A_361 = arith.select %eq3A_356, %broadcast_in_dim3A_359, %broadcast_in_dim3A_360 : vector<1024x16xi1>, vector<1024x16xf32>
      %add3A_362 = arith.addf %add3A_333, %select_n3A_361 : vector<1024x16xf32>
      %reduce_or3A_363 = arith.constant 1.000000e+00 : f32
      %reduce_or3A_364 = arith.constant 0.000000e+00 : f32
      %reduce_or3A_365 = vector.broadcast %reduce_or3A_363 : f32 to vector<1024x16xf32>
      %reduce_or3A_366 = vector.broadcast %reduce_or3A_364 : f32 to vector<1024x16xf32>
      %reduce_or3A_367 = arith.select %eq3A_356, %reduce_or3A_365, %reduce_or3A_366 : vector<1024x16xi1>, vector<1024x16xf32>
      %reduce_or3A_368 = arith.constant dense<0xFF800000> : vector<1024xf32>
      %reduce_or3A_369 = vector.multi_reduction <maximumf>, %reduce_or3A_367, %reduce_or3A_368 [1] : vector<1024x16xf32> to vector<1024xf32>
      %reduce_or3A_370 = arith.constant 0.000000e+00 : f32
      %reduce_or3A_371 = vector.broadcast %reduce_or3A_370 : f32 to vector<1024xf32>
      %reduce_or3A_372 = arith.cmpf ogt, %reduce_or3A_369, %reduce_or3A_371 : vector<1024xf32>
      %broadcast_in_dim3A_373 = vector.shape_cast %reduce_or3A_372 : vector<1024xi1> to vector<1024x1xi1>
      %jit3A_374 = arith.constant 1.000000e+00 : f32
      %jit3A_375 = arith.constant 0.000000e+00 : f32
      %broadcast_in_dim3A_376 = vector.broadcast %jit3A_374 : f32 to vector<1024x1xf32>
      %broadcast_in_dim3A_377 = vector.broadcast %jit3A_375 : f32 to vector<1024x1xf32>
      %select_n3A_378 = arith.select %broadcast_in_dim3A_373, %broadcast_in_dim3A_376, %broadcast_in_dim3A_377 : vector<1024x1xi1>, vector<1024x1xf32>
      %swap3A_379 = arith.constant 0 : index
      %swap3A_380 = arith.constant 7 : index
      %swap3A_381 = vector.load %arg16[%swap3A_379, %swap3A_380] : memref<1024x16xf32, #tpu.memory_space<vmem>>, vector<1024x1xf32>
      tpu.vector_store %arg16[%swap3A_379, %swap3A_380], %select_n3A_378 {strides = array<i32>} : memref<1024x16xf32, #tpu.memory_space<vmem>>, vector<1024x1xf32>,
      %slice3A_382 = vector.extract_strided_slice %get3A_144 {offsets = [0, 8], sizes = [1024, 1], strides = [1, 1]} : vector<1024x16xi32> to vector<1024x1xi32>
      %slice3A_383 = vector.extract_strided_slice %div3A_135 {offsets = [0, 8], sizes = [1024, 1], strides = [1, 1]} : vector<1024x16xf32> to vector<1024x1xf32>
      %eq3A_384 = vector.broadcast %slice3A_382 : vector<1024x1xi32> to vector<1024x16xi32>
      %eq3A_385 = arith.cmpi eq, %get3A_138, %eq3A_384 : vector<1024x16xi32>
      %jit3A_386 = arith.constant 0.000000e+00 : f32
      %broadcast_in_dim3A_387 = vector.shape_cast %slice3A_383 : vector<1024x1xf32> to vector<1024x1xf32>
      %broadcast_in_dim3A_388 = vector.broadcast %broadcast_in_dim3A_387 : vector<1024x1xf32> to vector<1024x16xf32>
      %broadcast_in_dim3A_389 = vector.broadcast %jit3A_386 : f32 to vector<1024x16xf32>
      %select_n3A_390 = arith.select %eq3A_385, %broadcast_in_dim3A_388, %broadcast_in_dim3A_389 : vector<1024x16xi1>, vector<1024x16xf32>
      %add3A_391 = arith.addf %add3A_362, %select_n3A_390 : vector<1024x16xf32>
      %reduce_or3A_392 = arith.constant 1.000000e+00 : f32
      %reduce_or3A_393 = arith.constant 0.000000e+00 : f32
      %reduce_or3A_394 = vector.broadcast %reduce_or3A_392 : f32 to vector<1024x16xf32>
      %reduce_or3A_395 = vector.broadcast %reduce_or3A_393 : f32 to vector<1024x16xf32>
      %reduce_or3A_396 = arith.select %eq3A_385, %reduce_or3A_394, %reduce_or3A_395 : vector<1024x16xi1>, vector<1024x16xf32>
      %reduce_or3A_397 = arith.constant dense<0xFF800000> : vector<1024xf32>
      %reduce_or3A_398 = vector.multi_reduction <maximumf>, %reduce_or3A_396, %reduce_or3A_397 [1] : vector<1024x16xf32> to vector<1024xf32>
      %reduce_or3A_399 = arith.constant 0.000000e+00 : f32
      %reduce_or3A_400 = vector.broadcast %reduce_or3A_399 : f32 to vector<1024xf32>
      %reduce_or3A_401 = arith.cmpf ogt, %reduce_or3A_398, %reduce_or3A_400 : vector<1024xf32>
      %broadcast_in_dim3A_402 = vector.shape_cast %reduce_or3A_401 : vector<1024xi1> to vector<1024x1xi1>
      %jit3A_403 = arith.constant 1.000000e+00 : f32
      %jit3A_404 = arith.constant 0.000000e+00 : f32
      %broadcast_in_dim3A_405 = vector.broadcast %jit3A_403 : f32 to vector<1024x1xf32>
      %broadcast_in_dim3A_406 = vector.broadcast %jit3A_404 : f32 to vector<1024x1xf32>
      %select_n3A_407 = arith.select %broadcast_in_dim3A_402, %broadcast_in_dim3A_405, %broadcast_in_dim3A_406 : vector<1024x1xi1>, vector<1024x1xf32>
      %swap3A_408 = arith.constant 0 : index
      %swap3A_409 = arith.constant 8 : index
      %swap3A_410 = vector.load %arg16[%swap3A_408, %swap3A_409] : memref<1024x16xf32, #tpu.memory_space<vmem>>, vector<1024x1xf32>
      tpu.vector_store %arg16[%swap3A_408, %swap3A_409], %select_n3A_407 {strides = array<i32>} : memref<1024x16xf32, #tpu.memory_space<vmem>>, vector<1024x1xf32>,
      %slice3A_411 = vector.extract_strided_slice %get3A_144 {offsets = [0, 9], sizes = [1024, 1], strides = [1, 1]} : vector<1024x16xi32> to vector<1024x1xi32>
      %slice3A_412 = vector.extract_strided_slice %div3A_135 {offsets = [0, 9], sizes = [1024, 1], strides = [1, 1]} : vector<1024x16xf32> to vector<1024x1xf32>
      %eq3A_413 = vector.broadcast %slice3A_411 : vector<1024x1xi32> to vector<1024x16xi32>
      %eq3A_414 = arith.cmpi eq, %get3A_138, %eq3A_413 : vector<1024x16xi32>
      %jit3A_415 = arith.constant 0.000000e+00 : f32
      %broadcast_in_dim3A_416 = vector.shape_cast %slice3A_412 : vector<1024x1xf32> to vector<1024x1xf32>
      %broadcast_in_dim3A_417 = vector.broadcast %broadcast_in_dim3A_416 : vector<1024x1xf32> to vector<1024x16xf32>
      %broadcast_in_dim3A_418 = vector.broadcast %jit3A_415 : f32 to vector<1024x16xf32>
      %select_n3A_419 = arith.select %eq3A_414, %broadcast_in_dim3A_417, %broadcast_in_dim3A_418 : vector<1024x16xi1>, vector<1024x16xf32>
      %add3A_420 = arith.addf %add3A_391, %select_n3A_419 : vector<1024x16xf32>
      %reduce_or3A_421 = arith.constant 1.000000e+00 : f32
      %reduce_or3A_422 = arith.constant 0.000000e+00 : f32
      %reduce_or3A_423 = vector.broadcast %reduce_or3A_421 : f32 to vector<1024x16xf32>
      %reduce_or3A_424 = vector.broadcast %reduce_or3A_422 : f32 to vector<1024x16xf32>
      %reduce_or3A_425 = arith.select %eq3A_414, %reduce_or3A_423, %reduce_or3A_424 : vector<1024x16xi1>, vector<1024x16xf32>
      %reduce_or3A_426 = arith.constant dense<0xFF800000> : vector<1024xf32>
      %reduce_or3A_427 = vector.multi_reduction <maximumf>, %reduce_or3A_425, %reduce_or3A_426 [1] : vector<1024x16xf32> to vector<1024xf32>
      %reduce_or3A_428 = arith.constant 0.000000e+00 : f32
      %reduce_or3A_429 = vector.broadcast %reduce_or3A_428 : f32 to vector<1024xf32>
      %reduce_or3A_430 = arith.cmpf ogt, %reduce_or3A_427, %reduce_or3A_429 : vector<1024xf32>
      %broadcast_in_dim3A_431 = vector.shape_cast %reduce_or3A_430 : vector<1024xi1> to vector<1024x1xi1>
      %jit3A_432 = arith.constant 1.000000e+00 : f32
      %jit3A_433 = arith.constant 0.000000e+00 : f32
      %broadcast_in_dim3A_434 = vector.broadcast %jit3A_432 : f32 to vector<1024x1xf32>
      %broadcast_in_dim3A_435 = vector.broadcast %jit3A_433 : f32 to vector<1024x1xf32>
      %select_n3A_436 = arith.select %broadcast_in_dim3A_431, %broadcast_in_dim3A_434, %broadcast_in_dim3A_435 : vector<1024x1xi1>, vector<1024x1xf32>
      %swap3A_437 = arith.constant 0 : index
      %swap3A_438 = arith.constant 9 : index
      %swap3A_439 = vector.load %arg16[%swap3A_437, %swap3A_438] : memref<1024x16xf32, #tpu.memory_space<vmem>>, vector<1024x1xf32>
      tpu.vector_store %arg16[%swap3A_437, %swap3A_438], %select_n3A_436 {strides = array<i32>} : memref<1024x16xf32, #tpu.memory_space<vmem>>, vector<1024x1xf32>,
      %slice3A_440 = vector.extract_strided_slice %get3A_144 {offsets = [0, 10], sizes = [1024, 1], strides = [1, 1]} : vector<1024x16xi32> to vector<1024x1xi32>
      %slice3A_441 = vector.extract_strided_slice %div3A_135 {offsets = [0, 10], sizes = [1024, 1], strides = [1, 1]} : vector<1024x16xf32> to vector<1024x1xf32>
      %eq3A_442 = vector.broadcast %slice3A_440 : vector<1024x1xi32> to vector<1024x16xi32>
      %eq3A_443 = arith.cmpi eq, %get3A_138, %eq3A_442 : vector<1024x16xi32>
      %jit3A_444 = arith.constant 0.000000e+00 : f32
      %broadcast_in_dim3A_445 = vector.shape_cast %slice3A_441 : vector<1024x1xf32> to vector<1024x1xf32>
      %broadcast_in_dim3A_446 = vector.broadcast %broadcast_in_dim3A_445 : vector<1024x1xf32> to vector<1024x16xf32>
      %broadcast_in_dim3A_447 = vector.broadcast %jit3A_444 : f32 to vector<1024x16xf32>
      %select_n3A_448 = arith.select %eq3A_443, %broadcast_in_dim3A_446, %broadcast_in_dim3A_447 : vector<1024x16xi1>, vector<1024x16xf32>
      %add3A_449 = arith.addf %add3A_420, %select_n3A_448 : vector<1024x16xf32>
      %reduce_or3A_450 = arith.constant 1.000000e+00 : f32
      %reduce_or3A_451 = arith.constant 0.000000e+00 : f32
      %reduce_or3A_452 = vector.broadcast %reduce_or3A_450 : f32 to vector<1024x16xf32>
      %reduce_or3A_453 = vector.broadcast %reduce_or3A_451 : f32 to vector<1024x16xf32>
      %reduce_or3A_454 = arith.select %eq3A_443, %reduce_or3A_452, %reduce_or3A_453 : vector<1024x16xi1>, vector<1024x16xf32>
      %reduce_or3A_455 = arith.constant dense<0xFF800000> : vector<1024xf32>
      %reduce_or3A_456 = vector.multi_reduction <maximumf>, %reduce_or3A_454, %reduce_or3A_455 [1] : vector<1024x16xf32> to vector<1024xf32>
      %reduce_or3A_457 = arith.constant 0.000000e+00 : f32
      %reduce_or3A_458 = vector.broadcast %reduce_or3A_457 : f32 to vector<1024xf32>
      %reduce_or3A_459 = arith.cmpf ogt, %reduce_or3A_456, %reduce_or3A_458 : vector<1024xf32>
      %broadcast_in_dim3A_460 = vector.shape_cast %reduce_or3A_459 : vector<1024xi1> to vector<1024x1xi1>
      %jit3A_461 = arith.constant 1.000000e+00 : f32
      %jit3A_462 = arith.constant 0.000000e+00 : f32
      %broadcast_in_dim3A_463 = vector.broadcast %jit3A_461 : f32 to vector<1024x1xf32>
      %broadcast_in_dim3A_464 = vector.broadcast %jit3A_462 : f32 to vector<1024x1xf32>
      %select_n3A_465 = arith.select %broadcast_in_dim3A_460, %broadcast_in_dim3A_463, %broadcast_in_dim3A_464 : vector<1024x1xi1>, vector<1024x1xf32>
      %swap3A_466 = arith.constant 0 : index
      %swap3A_467 = arith.constant 10 : index
      %swap3A_468 = vector.load %arg16[%swap3A_466, %swap3A_467] : memref<1024x16xf32, #tpu.memory_space<vmem>>, vector<1024x1xf32>
      tpu.vector_store %arg16[%swap3A_466, %swap3A_467], %select_n3A_465 {strides = array<i32>} : memref<1024x16xf32, #tpu.memory_space<vmem>>, vector<1024x1xf32>,
      %slice3A_469 = vector.extract_strided_slice %get3A_144 {offsets = [0, 11], sizes = [1024, 1], strides = [1, 1]} : vector<1024x16xi32> to vector<1024x1xi32>
      %slice3A_470 = vector.extract_strided_slice %div3A_135 {offsets = [0, 11], sizes = [1024, 1], strides = [1, 1]} : vector<1024x16xf32> to vector<1024x1xf32>
      %eq3A_471 = vector.broadcast %slice3A_469 : vector<1024x1xi32> to vector<1024x16xi32>
      %eq3A_472 = arith.cmpi eq, %get3A_138, %eq3A_471 : vector<1024x16xi32>
      %jit3A_473 = arith.constant 0.000000e+00 : f32
      %broadcast_in_dim3A_474 = vector.shape_cast %slice3A_470 : vector<1024x1xf32> to vector<1024x1xf32>
      %broadcast_in_dim3A_475 = vector.broadcast %broadcast_in_dim3A_474 : vector<1024x1xf32> to vector<1024x16xf32>
      %broadcast_in_dim3A_476 = vector.broadcast %jit3A_473 : f32 to vector<1024x16xf32>
      %select_n3A_477 = arith.select %eq3A_472, %broadcast_in_dim3A_475, %broadcast_in_dim3A_476 : vector<1024x16xi1>, vector<1024x16xf32>
      %add3A_478 = arith.addf %add3A_449, %select_n3A_477 : vector<1024x16xf32>
      %reduce_or3A_479 = arith.constant 1.000000e+00 : f32
      %reduce_or3A_480 = arith.constant 0.000000e+00 : f32
      %reduce_or3A_481 = vector.broadcast %reduce_or3A_479 : f32 to vector<1024x16xf32>
      %reduce_or3A_482 = vector.broadcast %reduce_or3A_480 : f32 to vector<1024x16xf32>
      %reduce_or3A_483 = arith.select %eq3A_472, %reduce_or3A_481, %reduce_or3A_482 : vector<1024x16xi1>, vector<1024x16xf32>
      %reduce_or3A_484 = arith.constant dense<0xFF800000> : vector<1024xf32>
      %reduce_or3A_485 = vector.multi_reduction <maximumf>, %reduce_or3A_483, %reduce_or3A_484 [1] : vector<1024x16xf32> to vector<1024xf32>
      %reduce_or3A_486 = arith.constant 0.000000e+00 : f32
      %reduce_or3A_487 = vector.broadcast %reduce_or3A_486 : f32 to vector<1024xf32>
      %reduce_or3A_488 = arith.cmpf ogt, %reduce_or3A_485, %reduce_or3A_487 : vector<1024xf32>
      %broadcast_in_dim3A_489 = vector.shape_cast %reduce_or3A_488 : vector<1024xi1> to vector<1024x1xi1>
      %jit3A_490 = arith.constant 1.000000e+00 : f32
      %jit3A_491 = arith.constant 0.000000e+00 : f32
      %broadcast_in_dim3A_492 = vector.broadcast %jit3A_490 : f32 to vector<1024x1xf32>
      %broadcast_in_dim3A_493 = vector.broadcast %jit3A_491 : f32 to vector<1024x1xf32>
      %select_n3A_494 = arith.select %broadcast_in_dim3A_489, %broadcast_in_dim3A_492, %broadcast_in_dim3A_493 : vector<1024x1xi1>, vector<1024x1xf32>
      %swap3A_495 = arith.constant 0 : index
      %swap3A_496 = arith.constant 11 : index
      %swap3A_497 = vector.load %arg16[%swap3A_495, %swap3A_496] : memref<1024x16xf32, #tpu.memory_space<vmem>>, vector<1024x1xf32>
      tpu.vector_store %arg16[%swap3A_495, %swap3A_496], %select_n3A_494 {strides = array<i32>} : memref<1024x16xf32, #tpu.memory_space<vmem>>, vector<1024x1xf32>,
      %slice3A_498 = vector.extract_strided_slice %get3A_144 {offsets = [0, 12], sizes = [1024, 1], strides = [1, 1]} : vector<1024x16xi32> to vector<1024x1xi32>
      %slice3A_499 = vector.extract_strided_slice %div3A_135 {offsets = [0, 12], sizes = [1024, 1], strides = [1, 1]} : vector<1024x16xf32> to vector<1024x1xf32>
      %eq3A_500 = vector.broadcast %slice3A_498 : vector<1024x1xi32> to vector<1024x16xi32>
      %eq3A_501 = arith.cmpi eq, %get3A_138, %eq3A_500 : vector<1024x16xi32>
      %jit3A_502 = arith.constant 0.000000e+00 : f32
      %broadcast_in_dim3A_503 = vector.shape_cast %slice3A_499 : vector<1024x1xf32> to vector<1024x1xf32>
      %broadcast_in_dim3A_504 = vector.broadcast %broadcast_in_dim3A_503 : vector<1024x1xf32> to vector<1024x16xf32>
      %broadcast_in_dim3A_505 = vector.broadcast %jit3A_502 : f32 to vector<1024x16xf32>
      %select_n3A_506 = arith.select %eq3A_501, %broadcast_in_dim3A_504, %broadcast_in_dim3A_505 : vector<1024x16xi1>, vector<1024x16xf32>
      %add3A_507 = arith.addf %add3A_478, %select_n3A_506 : vector<1024x16xf32>
      %reduce_or3A_508 = arith.constant 1.000000e+00 : f32
      %reduce_or3A_509 = arith.constant 0.000000e+00 : f32
      %reduce_or3A_510 = vector.broadcast %reduce_or3A_508 : f32 to vector<1024x16xf32>
      %reduce_or3A_511 = vector.broadcast %reduce_or3A_509 : f32 to vector<1024x16xf32>
      %reduce_or3A_512 = arith.select %eq3A_501, %reduce_or3A_510, %reduce_or3A_511 : vector<1024x16xi1>, vector<1024x16xf32>
      %reduce_or3A_513 = arith.constant dense<0xFF800000> : vector<1024xf32>
      %reduce_or3A_514 = vector.multi_reduction <maximumf>, %reduce_or3A_512, %reduce_or3A_513 [1] : vector<1024x16xf32> to vector<1024xf32>
      %reduce_or3A_515 = arith.constant 0.000000e+00 : f32
      %reduce_or3A_516 = vector.broadcast %reduce_or3A_515 : f32 to vector<1024xf32>
      %reduce_or3A_517 = arith.cmpf ogt, %reduce_or3A_514, %reduce_or3A_516 : vector<1024xf32>
      %broadcast_in_dim3A_518 = vector.shape_cast %reduce_or3A_517 : vector<1024xi1> to vector<1024x1xi1>
      %jit3A_519 = arith.constant 1.000000e+00 : f32
      %jit3A_520 = arith.constant 0.000000e+00 : f32
      %broadcast_in_dim3A_521 = vector.broadcast %jit3A_519 : f32 to vector<1024x1xf32>
      %broadcast_in_dim3A_522 = vector.broadcast %jit3A_520 : f32 to vector<1024x1xf32>
      %select_n3A_523 = arith.select %broadcast_in_dim3A_518, %broadcast_in_dim3A_521, %broadcast_in_dim3A_522 : vector<1024x1xi1>, vector<1024x1xf32>
      %swap3A_524 = arith.constant 0 : index
      %swap3A_525 = arith.constant 12 : index
      %swap3A_526 = vector.load %arg16[%swap3A_524, %swap3A_525] : memref<1024x16xf32, #tpu.memory_space<vmem>>, vector<1024x1xf32>
      tpu.vector_store %arg16[%swap3A_524, %swap3A_525], %select_n3A_523 {strides = array<i32>} : memref<1024x16xf32, #tpu.memory_space<vmem>>, vector<1024x1xf32>,
      %slice3A_527 = vector.extract_strided_slice %get3A_144 {offsets = [0, 13], sizes = [1024, 1], strides = [1, 1]} : vector<1024x16xi32> to vector<1024x1xi32>
      %slice3A_528 = vector.extract_strided_slice %div3A_135 {offsets = [0, 13], sizes = [1024, 1], strides = [1, 1]} : vector<1024x16xf32> to vector<1024x1xf32>
      %eq3A_529 = vector.broadcast %slice3A_527 : vector<1024x1xi32> to vector<1024x16xi32>
      %eq3A_530 = arith.cmpi eq, %get3A_138, %eq3A_529 : vector<1024x16xi32>
      %jit3A_531 = arith.constant 0.000000e+00 : f32
      %broadcast_in_dim3A_532 = vector.shape_cast %slice3A_528 : vector<1024x1xf32> to vector<1024x1xf32>
      %broadcast_in_dim3A_533 = vector.broadcast %broadcast_in_dim3A_532 : vector<1024x1xf32> to vector<1024x16xf32>
      %broadcast_in_dim3A_534 = vector.broadcast %jit3A_531 : f32 to vector<1024x16xf32>
      %select_n3A_535 = arith.select %eq3A_530, %broadcast_in_dim3A_533, %broadcast_in_dim3A_534 : vector<1024x16xi1>, vector<1024x16xf32>
      %add3A_536 = arith.addf %add3A_507, %select_n3A_535 : vector<1024x16xf32>
      %reduce_or3A_537 = arith.constant 1.000000e+00 : f32
      %reduce_or3A_538 = arith.constant 0.000000e+00 : f32
      %reduce_or3A_539 = vector.broadcast %reduce_or3A_537 : f32 to vector<1024x16xf32>
      %reduce_or3A_540 = vector.broadcast %reduce_or3A_538 : f32 to vector<1024x16xf32>
      %reduce_or3A_541 = arith.select %eq3A_530, %reduce_or3A_539, %reduce_or3A_540 : vector<1024x16xi1>, vector<1024x16xf32>
      %reduce_or3A_542 = arith.constant dense<0xFF800000> : vector<1024xf32>
      %reduce_or3A_543 = vector.multi_reduction <maximumf>, %reduce_or3A_541, %reduce_or3A_542 [1] : vector<1024x16xf32> to vector<1024xf32>
      %reduce_or3A_544 = arith.constant 0.000000e+00 : f32
      %reduce_or3A_545 = vector.broadcast %reduce_or3A_544 : f32 to vector<1024xf32>
      %reduce_or3A_546 = arith.cmpf ogt, %reduce_or3A_543, %reduce_or3A_545 : vector<1024xf32>
      %broadcast_in_dim3A_547 = vector.shape_cast %reduce_or3A_546 : vector<1024xi1> to vector<1024x1xi1>
      %jit3A_548 = arith.constant 1.000000e+00 : f32
      %jit3A_549 = arith.constant 0.000000e+00 : f32
      %broadcast_in_dim3A_550 = vector.broadcast %jit3A_548 : f32 to vector<1024x1xf32>
      %broadcast_in_dim3A_551 = vector.broadcast %jit3A_549 : f32 to vector<1024x1xf32>
      %select_n3A_552 = arith.select %broadcast_in_dim3A_547, %broadcast_in_dim3A_550, %broadcast_in_dim3A_551 : vector<1024x1xi1>, vector<1024x1xf32>
      %swap3A_553 = arith.constant 0 : index
      %swap3A_554 = arith.constant 13 : index
      %swap3A_555 = vector.load %arg16[%swap3A_553, %swap3A_554] : memref<1024x16xf32, #tpu.memory_space<vmem>>, vector<1024x1xf32>
      tpu.vector_store %arg16[%swap3A_553, %swap3A_554], %select_n3A_552 {strides = array<i32>} : memref<1024x16xf32, #tpu.memory_space<vmem>>, vector<1024x1xf32>,
      %slice3A_556 = vector.extract_strided_slice %get3A_144 {offsets = [0, 14], sizes = [1024, 1], strides = [1, 1]} : vector<1024x16xi32> to vector<1024x1xi32>
      %slice3A_557 = vector.extract_strided_slice %div3A_135 {offsets = [0, 14], sizes = [1024, 1], strides = [1, 1]} : vector<1024x16xf32> to vector<1024x1xf32>
      %eq3A_558 = vector.broadcast %slice3A_556 : vector<1024x1xi32> to vector<1024x16xi32>
      %eq3A_559 = arith.cmpi eq, %get3A_138, %eq3A_558 : vector<1024x16xi32>
      %jit3A_560 = arith.constant 0.000000e+00 : f32
      %broadcast_in_dim3A_561 = vector.shape_cast %slice3A_557 : vector<1024x1xf32> to vector<1024x1xf32>
      %broadcast_in_dim3A_562 = vector.broadcast %broadcast_in_dim3A_561 : vector<1024x1xf32> to vector<1024x16xf32>
      %broadcast_in_dim3A_563 = vector.broadcast %jit3A_560 : f32 to vector<1024x16xf32>
      %select_n3A_564 = arith.select %eq3A_559, %broadcast_in_dim3A_562, %broadcast_in_dim3A_563 : vector<1024x16xi1>, vector<1024x16xf32>
      %add3A_565 = arith.addf %add3A_536, %select_n3A_564 : vector<1024x16xf32>
      %reduce_or3A_566 = arith.constant 1.000000e+00 : f32
      %reduce_or3A_567 = arith.constant 0.000000e+00 : f32
      %reduce_or3A_568 = vector.broadcast %reduce_or3A_566 : f32 to vector<1024x16xf32>
      %reduce_or3A_569 = vector.broadcast %reduce_or3A_567 : f32 to vector<1024x16xf32>
      %reduce_or3A_570 = arith.select %eq3A_559, %reduce_or3A_568, %reduce_or3A_569 : vector<1024x16xi1>, vector<1024x16xf32>
      %reduce_or3A_571 = arith.constant dense<0xFF800000> : vector<1024xf32>
      %reduce_or3A_572 = vector.multi_reduction <maximumf>, %reduce_or3A_570, %reduce_or3A_571 [1] : vector<1024x16xf32> to vector<1024xf32>
      %reduce_or3A_573 = arith.constant 0.000000e+00 : f32
      %reduce_or3A_574 = vector.broadcast %reduce_or3A_573 : f32 to vector<1024xf32>
      %reduce_or3A_575 = arith.cmpf ogt, %reduce_or3A_572, %reduce_or3A_574 : vector<1024xf32>
      %broadcast_in_dim3A_576 = vector.shape_cast %reduce_or3A_575 : vector<1024xi1> to vector<1024x1xi1>
      %jit3A_577 = arith.constant 1.000000e+00 : f32
      %jit3A_578 = arith.constant 0.000000e+00 : f32
      %broadcast_in_dim3A_579 = vector.broadcast %jit3A_577 : f32 to vector<1024x1xf32>
      %broadcast_in_dim3A_580 = vector.broadcast %jit3A_578 : f32 to vector<1024x1xf32>
      %select_n3A_581 = arith.select %broadcast_in_dim3A_576, %broadcast_in_dim3A_579, %broadcast_in_dim3A_580 : vector<1024x1xi1>, vector<1024x1xf32>
      %swap3A_582 = arith.constant 0 : index
      %swap3A_583 = arith.constant 14 : index
      %swap3A_584 = vector.load %arg16[%swap3A_582, %swap3A_583] : memref<1024x16xf32, #tpu.memory_space<vmem>>, vector<1024x1xf32>
      tpu.vector_store %arg16[%swap3A_582, %swap3A_583], %select_n3A_581 {strides = array<i32>} : memref<1024x16xf32, #tpu.memory_space<vmem>>, vector<1024x1xf32>,
      %slice3A_585 = vector.extract_strided_slice %get3A_144 {offsets = [0, 15], sizes = [1024, 1], strides = [1, 1]} : vector<1024x16xi32> to vector<1024x1xi32>
      %slice3A_586 = vector.extract_strided_slice %div3A_135 {offsets = [0, 15], sizes = [1024, 1], strides = [1, 1]} : vector<1024x16xf32> to vector<1024x1xf32>
      %eq3A_587 = vector.broadcast %slice3A_585 : vector<1024x1xi32> to vector<1024x16xi32>
      %eq3A_588 = arith.cmpi eq, %get3A_138, %eq3A_587 : vector<1024x16xi32>
      %jit3A_589 = arith.constant 0.000000e+00 : f32
      %broadcast_in_dim3A_590 = vector.shape_cast %slice3A_586 : vector<1024x1xf32> to vector<1024x1xf32>
      %broadcast_in_dim3A_591 = vector.broadcast %broadcast_in_dim3A_590 : vector<1024x1xf32> to vector<1024x16xf32>
      %broadcast_in_dim3A_592 = vector.broadcast %jit3A_589 : f32 to vector<1024x16xf32>
      %select_n3A_593 = arith.select %eq3A_588, %broadcast_in_dim3A_591, %broadcast_in_dim3A_592 : vector<1024x16xi1>, vector<1024x16xf32>
      %add3A_594 = arith.addf %add3A_565, %select_n3A_593 : vector<1024x16xf32>
      %reduce_or3A_595 = arith.constant 1.000000e+00 : f32
      %reduce_or3A_596 = arith.constant 0.000000e+00 : f32
      %reduce_or3A_597 = vector.broadcast %reduce_or3A_595 : f32 to vector<1024x16xf32>
      %reduce_or3A_598 = vector.broadcast %reduce_or3A_596 : f32 to vector<1024x16xf32>
      %reduce_or3A_599 = arith.select %eq3A_588, %reduce_or3A_597, %reduce_or3A_598 : vector<1024x16xi1>, vector<1024x16xf32>
      %reduce_or3A_600 = arith.constant dense<0xFF800000> : vector<1024xf32>
      %reduce_or3A_601 = vector.multi_reduction <maximumf>, %reduce_or3A_599, %reduce_or3A_600 [1] : vector<1024x16xf32> to vector<1024xf32>
      %reduce_or3A_602 = arith.constant 0.000000e+00 : f32
      %reduce_or3A_603 = vector.broadcast %reduce_or3A_602 : f32 to vector<1024xf32>
      %reduce_or3A_604 = arith.cmpf ogt, %reduce_or3A_601, %reduce_or3A_603 : vector<1024xf32>
      %broadcast_in_dim3A_605 = vector.shape_cast %reduce_or3A_604 : vector<1024xi1> to vector<1024x1xi1>
      %jit3A_606 = arith.constant 1.000000e+00 : f32
      %jit3A_607 = arith.constant 0.000000e+00 : f32
      %broadcast_in_dim3A_608 = vector.broadcast %jit3A_606 : f32 to vector<1024x1xf32>
      %broadcast_in_dim3A_609 = vector.broadcast %jit3A_607 : f32 to vector<1024x1xf32>
      %select_n3A_610 = arith.select %broadcast_in_dim3A_605, %broadcast_in_dim3A_608, %broadcast_in_dim3A_609 : vector<1024x1xi1>, vector<1024x1xf32>
      %swap3A_611 = arith.constant 0 : index
      %swap3A_612 = arith.constant 15 : index
      %swap3A_613 = vector.load %arg16[%swap3A_611, %swap3A_612] : memref<1024x16xf32, #tpu.memory_space<vmem>>, vector<1024x1xf32>
      tpu.vector_store %arg16[%swap3A_611, %swap3A_612], %select_n3A_610 {strides = array<i32>} : memref<1024x16xf32, #tpu.memory_space<vmem>>, vector<1024x1xf32>,
      %get3A_614 = arith.constant 0 : index
      %get3A_615 = arith.constant 0 : index
      %get3A_616 = vector.load %arg16[%get3A_614, %get3A_615] : memref<1024x16xf32, #tpu.memory_space<vmem>>, vector<1024x16xf32>
      %sub3A_617 = arith.constant 1.000000e+00 : f32
      %sub3A_618 = vector.broadcast %sub3A_617 : f32 to vector<1024x16xf32>
      %sub3A_619 = arith.subf %sub3A_618, %get3A_616 : vector<1024x16xf32>
      %max3A = arith.constant 9.99999993E-9 : f32
      %max3A_620 = vector.broadcast %max3A : f32 to vector<1024x16xf32>
      %max3A_621 = arith.maximumf %get3A_141, %max3A_620 : vector<1024x16xf32>
      %max3A_622 = arith.constant 9.99999993E-9 : f32
      %max3A_623 = vector.broadcast %max3A_622 : f32 to vector<1024x16xf32>
      %max3A_624 = arith.maximumf %add3A_594, %max3A_623 : vector<1024x16xf32>
      %broadcast_in_dim3A_625 = arith.constant 9.99999993E-9 : f32
      %broadcast_in_dim3A_626 = vector.broadcast %broadcast_in_dim3A_625 : f32 to vector<1024x16xf32>
      %mul3A_627 = arith.mulf %broadcast_in_dim3A_626, %sub3A_619 : vector<1024x16xf32>
      %max3A_628 = arith.constant 9.99999993E-9 : f32
      %max3A_629 = vector.broadcast %max3A_628 : f32 to vector<1024x16xf32>
      %max3A_630 = arith.maximumf %div3A_135, %max3A_629 : vector<1024x16xf32>
      %mul3A_631 = arith.mulf %max3A_630, %sub3A_619 : vector<1024x16xf32>
      %reduce_sum3A_632 = arith.constant dense<0.000000e+00> : vector<1024xf32>
      %reduce_sum3A_633 = vector.multi_reduction <add>, %max3A_621, %reduce_sum3A_632 [1] : vector<1024x16xf32> to vector<1024xf32>
      %broadcast_in_dim3A_634 = vector.shape_cast %reduce_sum3A_633 : vector<1024xf32> to vector<1024x1xf32>
      %reduce_sum3A_635 = arith.constant dense<0.000000e+00> : vector<1024xf32>
      %reduce_sum3A_636 = vector.multi_reduction <add>, %mul3A_627, %reduce_sum3A_635 [1] : vector<1024x16xf32> to vector<1024xf32>
      %broadcast_in_dim3A_637 = vector.shape_cast %reduce_sum3A_636 : vector<1024xf32> to vector<1024x1xf32>
      %add3A_638 = arith.addf %broadcast_in_dim3A_634, %broadcast_in_dim3A_637 : vector<1024x1xf32>
      %reduce_sum3A_639 = arith.constant dense<0.000000e+00> : vector<1024xf32>
      %reduce_sum3A_640 = vector.multi_reduction <add>, %max3A_624, %reduce_sum3A_639 [1] : vector<1024x16xf32> to vector<1024xf32>
      %broadcast_in_dim3A_641 = vector.shape_cast %reduce_sum3A_640 : vector<1024xf32> to vector<1024x1xf32>
      %reduce_sum3A_642 = arith.constant dense<0.000000e+00> : vector<1024xf32>
      %reduce_sum3A_643 = vector.multi_reduction <add>, %mul3A_631, %reduce_sum3A_642 [1] : vector<1024x16xf32> to vector<1024xf32>
      %broadcast_in_dim3A_644 = vector.shape_cast %reduce_sum3A_643 : vector<1024xf32> to vector<1024x1xf32>
      %add3A_645 = arith.addf %broadcast_in_dim3A_641, %broadcast_in_dim3A_644 : vector<1024x1xf32>
      %div3A_646 = vector.broadcast %add3A_638 : vector<1024x1xf32> to vector<1024x16xf32>
      %div3A_647 = arith.divf %max3A_621, %div3A_646 : vector<1024x16xf32>
      %div3A_648 = vector.broadcast %add3A_638 : vector<1024x1xf32> to vector<1024x16xf32>
      %div3A_649 = arith.divf %mul3A_627, %div3A_648 : vector<1024x16xf32>
      %div3A_650 = vector.broadcast %add3A_645 : vector<1024x1xf32> to vector<1024x16xf32>
      %div3A_651 = arith.divf %max3A_624, %div3A_650 : vector<1024x16xf32>
      %div3A_652 = vector.broadcast %add3A_645 : vector<1024x1xf32> to vector<1024x16xf32>
      %div3A_653 = arith.divf %mul3A_631, %div3A_652 : vector<1024x16xf32>
      %log3A = math.log %div3A_647 : vector<1024x16xf32>
      %log3A_654 = math.log %div3A_651 : vector<1024x16xf32>
      %sub3A_655 = arith.subf %log3A, %log3A_654 : vector<1024x16xf32>
      %mul3A_656 = arith.mulf %div3A_647, %sub3A_655 : vector<1024x16xf32>
      %gt3A = arith.constant 0.000000e+00 : f32
      %gt3A_657 = vector.broadcast %gt3A : f32 to vector<1024x16xf32>
      %gt3A_658 = arith.cmpf ogt, %sub3A_619, %gt3A_657 : vector<1024x16xf32>
      %jit3A_659 = arith.constant 1.000000e+00 : f32
      %broadcast_in_dim3A_660 = vector.broadcast %jit3A_659 : f32 to vector<1024x16xf32>
      %select_n3A_661 = arith.select %gt3A_658, %div3A_649, %broadcast_in_dim3A_660 : vector<1024x16xi1>, vector<1024x16xf32>
      %jit3A_662 = arith.constant 1.000000e+00 : f32
      %broadcast_in_dim3A_663 = vector.broadcast %jit3A_662 : f32 to vector<1024x16xf32>
      %select_n3A_664 = arith.select %gt3A_658, %div3A_653, %broadcast_in_dim3A_663 : vector<1024x16xi1>, vector<1024x16xf32>
      %log3A_665 = math.log %select_n3A_661 : vector<1024x16xf32>
      %log3A_666 = math.log %select_n3A_664 : vector<1024x16xf32>
      %sub3A_667 = arith.subf %log3A_665, %log3A_666 : vector<1024x16xf32>
      %mul3A_668 = arith.mulf %select_n3A_661, %sub3A_667 : vector<1024x16xf32>
      %jit3A_669 = arith.constant 0.000000e+00 : f32
      %broadcast_in_dim3A_670 = vector.broadcast %jit3A_669 : f32 to vector<1024x16xf32>
      %select_n3A_671 = arith.select %gt3A_658, %mul3A_668, %broadcast_in_dim3A_670 : vector<1024x16xi1>, vector<1024x16xf32>
      %reduce_sum3A_672 = arith.constant dense<0.000000e+00> : vector<1024xf32>
      %reduce_sum3A_673 = vector.multi_reduction <add>, %mul3A_656, %reduce_sum3A_672 [1] : vector<1024x16xf32> to vector<1024xf32>
      %broadcast_in_dim3A_674 = vector.shape_cast %reduce_sum3A_673 : vector<1024xf32> to vector<1024x1xf32>
      %reduce_sum3A_675 = arith.constant dense<0.000000e+00> : vector<1024xf32>
      %reduce_sum3A_676 = vector.multi_reduction <add>, %select_n3A_671, %reduce_sum3A_675 [1] : vector<1024x16xf32> to vector<1024xf32>
      %broadcast_in_dim3A_677 = vector.shape_cast %reduce_sum3A_676 : vector<1024xf32> to vector<1024x1xf32>
      %add3A_678 = arith.addf %broadcast_in_dim3A_674, %broadcast_in_dim3A_677 : vector<1024x1xf32>
      %get3A_679 = arith.constant 0 : index
      %get3A_680 = arith.constant 0 : index
      %get3A_681 = memref.load %arg8[%get3A_679, %get3A_680] : memref<1x2xf32, #tpu.memory_space<smem>>
      %reduce_sum3A_682 = vector.shape_cast %add3A_678 : vector<1024x1xf32> to vector<1x1024x1xf32>
      %reduce_sum3A_683 = arith.constant dense<0.000000e+00> : vector<1xf32>
      %reduce_sum3A_684 = vector.multi_reduction <add>, %reduce_sum3A_682, %reduce_sum3A_683 [1, 2] : vector<1x1024x1xf32> to vector<1xf32>
      %reduce_sum3A_685 = vector.shape_cast %reduce_sum3A_684 : vector<1xf32> to vector<1x1x1xf32>
      %reduce_sum3A_686 = vector.extract %reduce_sum3A_685[0, 0, 0] : f32 from vector<1x1x1xf32>
      %add3A_687 = arith.addf %get3A_681, %reduce_sum3A_686 : f32
      %swap3A_688 = arith.constant 0 : index
      %swap3A_689 = arith.constant 0 : index
      %swap3A_690 = memref.load %arg8[%swap3A_688, %swap3A_689] : memref<1x2xf32, #tpu.memory_space<smem>>
      memref.store %add3A_687, %arg8[%swap3A_688, %swap3A_689] : memref<1x2xf32, #tpu.memory_space<smem>>
    } else {
    }
    return
  }
  func.func @transform_0(%arg0: i32, %arg1: i32) -> (i32, i32) {
    %c0_i32 = arith.constant 0 : i32
    %c0_i32_0 = arith.constant 0 : i32
    return %arg0, %c0_i32 : i32, i32
  }
  func.func @transform_1(%arg0: i32, %arg1: i32) -> (i32, i32) {
    %c0_i32 = arith.constant 0 : i32
    %c0_i32_0 = arith.constant 0 : i32
    %c0_i32_1 = arith.constant 0 : i32
    return %c0_i32, %c0_i32_0 : i32, i32
  }
  func.func @transform_2(%arg0: i32, %arg1: i32) -> (i32, i32) {
    %c0_i32 = arith.constant 0 : i32
    %c0_i32_0 = arith.constant 0 : i32
    %c0_i32_1 = arith.constant 0 : i32
    return %c0_i32, %c0_i32_0 : i32, i32
  }
  func.func @transform_3(%arg0: i32, %arg1: i32) -> (i32, i32) {
    %c0_i32 = arith.constant 0 : i32
    %c0_i32_0 = arith.constant 0 : i32
    return %c0_i32, %arg1 : i32, i32
  }
  func.func @transform_4(%arg0: i32, %arg1: i32) -> (i32, i32) {
    %c0_i32 = arith.constant 0 : i32
    %c0_i32_0 = arith.constant 0 : i32
    return %arg0, %c0_i32 : i32, i32
  }
  func.func @transform_5(%arg0: i32, %arg1: i32) -> (i32, i32) {
    %c0_i32 = arith.constant 0 : i32
    %c0_i32_0 = arith.constant 0 : i32
    return %arg0, %c0_i32 : i32, i32
  }
  func.func @transform_6(%arg0: i32, %arg1: i32) -> (i32, i32) {
    %c0_i32 = arith.constant 0 : i32
    %c0_i32_0 = arith.constant 0 : i32
    %c0_i32_1 = arith.constant 0 : i32
    return %c0_i32, %c0_i32_0 : i32, i32
  }
}

</mosaic_0001>

<sc_bundles>
// kernel: kernel.4.cloned.1.call-start
scs
__scs_entry_jumppad:
0x0: {  	(pc) =	sbr.rel $0x88, $3  }
0x1: {  	(tag) =	ssettag $0x0;
	lr =	simm.s32 $0x1  }
0x2: {  	[smem:$0x3F9A] =	sst lr;
	_ =	strace $0xD0000000  }
0x3: {  	_ = 	snop  }
0x4: {  	_ = 	snop  }
0x5: {  	_ = 	snop  }
0x6: {  	_ = 	snop  }
0x7: {  	_ = 	snop  }
__scs_overlays_trampoline_lowered:
0x8: {  	[smem:$0x3FA9] =	sst s0  }
0x9: {  	[smem:$0x3FAA] =	sst s1  }
0xa: {  	[smem:$0x3FAB] =	sst s2  }
0xb: {  	[smem:$0x3FAC] =	sst s3  }
0xc: {  	[smem:$0x3FAD] =	sst s4  }
0xd: {  	[smem:$0x3FAE] =	sst s5  }
0xe: {  	[smem:$0x3FAF] =	sst s6  }
0xf: {  	[smem:$0x3FB0] =	sst s7  }
0x10: {  	[smem:$0x3FB1] =	sst s8  }
0x11: {  	[smem:$0x3FB2] =	sst s9;
	s0 =	simm.s32 @!p0 $0x0  }
0x12: {  	s1 =	sld [smem:$0x3F98];
	s0 =	simm.s32 @p0 $0x1  }
0x13: {  	[smem:$0x3FB3] =	sst s0;
	s0 =	simm.s32 @!p1 $0x0  }
0x14: {  	s2 =	sld [smem:$0x3F97];
	s0 =	simm.s32 @p1 $0x1  }
0x15: {  	[smem:$0x3FB4] =	sst s0;
	s0 =	simm.s32 @!p2 $0x0  }
0x16: {  	s3 =	sld [smem:$0x3FDB];
	s0 =	simm.s32 @p2 $0x1  }
0x17: {  	s4 =	simm.s32 $0x1BF5;
	[smem:$0x3FB6] =	sst s0  }
0x18: {  	s0 =	sld [smem:$0x3F99];
	_ =	swait.ge [sflag:s4], $0x0  }
0x19: {  	s7 =	sld [smem:$0x3F9A]  }
0x1a: {  	s8 =	sadd.s32 $0xFFFFE003, lr  }
0x1b: {  	s9 =	sadd.s32 $0xFFFFFEF7, lr;
	s5 =	simm.s32 $0xFFFFFFFF;
	p2 =	slt.u32 s8, $0xFFFFF086  }
0x1c: {  	p1 =	slt.u32 s9, $0xF7A;
	s5 =	simm.s32 @!p2 $0x0  }
0x1d: {  	s5 =	simm.s32 @p1 $0x1;
	p0 =	seq.s32 s7, s2  }
0x1e: {  	s7 =	smul.u32 @!p0 $0xF7A, s2;
	p2 =	seq.s32 @!p0 s5, $0x0  }
0x1f: {  	s9 =	smul.u32 $0xF7A, s1;
	s8 =	simm.s32 @!p0 $0x1BF5;
	p2 =	por !p2, p0  }
0x20: {  	[sflag:s8] =	ssyncset.s32 @!p0 $0xFFFFF086;
	s6 =	sadd.s32 @!p0 s3, s7;
	s7 =	simm.s32 @!p0 $0x108  }
0x21: {  	s3 =	sadd.s32 s3, s9;
	s6 =	sadd.s32 @!p0 $0x88, s6;
	s7 =	simm.s32 @p2 $0x1082  }
0x22: {  	[simem:s7], [sflag:s8] =	dma.local @!p0 [hbm:s6], $0xF7A  }
0x23: {  	s9 =	sor.u32 $0xD0000000, s2;
	s6 =	simm.s32 $0x108;
	_ =	swait.ge @!p0 [sflag:s8], $0x0  }
0x24: {  	s3 =	sadd.s32 $0x88, s3;
	s6 =	simm.s32 @!p1 $0x1082;
	[sflag:s4] =	ssyncset.s32 $0xFFFFF086  }
0x25: {  	[simem:s6], [sflag:s4] =	dma.local [hbm:s3], $0xF7A  }
0x26: {  	[smem:$0x3F9A] =	sst s1;
	(tag) =	ssettag s2;
	_ =	strace s9  }
0x27: {  	s1 =	sld [smem:$0x3FAA]  }
0x28: {  	s2 =	sld [smem:$0x3FAB]  }
0x29: {  	s4 =	sld [smem:$0x3FAD]  }
0x2a: {  	p0 =	seq.s32 s5, $0x0;
	s5 =	sld [smem:$0x3FAE]  }
0x2b: {  	s6 =	sld [smem:$0x3FAF]  }
0x2c: {  	s7 =	sld [smem:$0x3FB0]  }
0x2d: {  	s3 =	simm.s32 $0x108;
	s8 =	sld [smem:$0x3FB1]  }
0x2e: {  	s3 =	simm.s32 @!p0 $0x1082;
	s9 =	sld [smem:$0x3FB2]  }
0x2f: {  	lr =	sadd.s32 s0, s3;
	s0 =	sld [smem:$0x3FA9]  }
0x30: {  	s3 =	sld [smem:$0x3FAC]  }
0x31: {  	[smem:$0x3FB5] =	sst s10  }
0x32: {  	s10 =	sld [smem:$0x3FB3];
	_ =	sdelay $0x3  }
0x33: {  	p0 =	seq.s32 s10, $0x1;
	s10 =	sld [smem:$0x3FB5];
	_ =	sdelay $0x3  }
0x34: {  	[smem:$0x3FB5] =	sst s10  }
0x35: {  	s10 =	sld [smem:$0x3FB4];
	_ =	sdelay $0x3  }
0x36: {  	p1 =	seq.s32 s10, $0x1;
	s10 =	sld [smem:$0x3FB5];
	_ =	sdelay $0x3  }
0x37: {  	[smem:$0x3FB5] =	sst s10  }
0x38: {  	s10 =	sld [smem:$0x3FB6]  }
0x39: {  	_ = 	snop;
	(pc) =	sbr.ind lr, $3  }
0x3a: {  	_ = 	snop  }
0x3b: {  	_ = 	snop  }
0x3c: {  	p2 =	seq.s32 s10, $0x1;
	s10 =	sld [smem:$0x3FB5]  }
0x3d: {  	_ =	shalt  }
0x3e: {  	_ =	shalt  }
0x3f: {  	_ =	shalt  }
0x40: {  	_ =	shalt  }
0x41: {  	_ =	shalt  }
0x42: {  	_ =	shalt  }
0x43: {  	_ =	shalt  }
0x44: {  	_ =	shalt  }
0x45: {  	_ =	shalt  }
0x46: {  	_ =	shalt  }
0x47: {  	_ =	shalt  }
0x48: {  	_ =	shalt  }
0x49: {  	_ =	shalt  }
0x4a: {  	_ =	shalt  }
0x4b: {  	_ =	shalt  }
0x4c: {  	_ =	shalt  }
0x4d: {  	_ =	shalt  }
0x4e: {  	_ =	shalt  }
0x4f: {  	_ =	shalt  }
0x50: {  	_ =	shalt  }
0x51: {  	_ =	shalt  }
0x52: {  	_ =	shalt  }
0x53: {  	_ =	shalt  }
0x54: {  	_ =	shalt  }
0x55: {  	_ =	shalt  }
0x56: {  	_ =	shalt  }
0x57: {  	_ =	shalt  }
0x58: {  	_ =	shalt  }
0x59: {  	_ =	shalt  }
0x5a: {  	_ =	shalt  }
0x5b: {  	_ =	shalt  }
0x5c: {  	_ =	shalt  }
0x5d: {  	_ =	shalt  }
0x5e: {  	_ =	shalt  }
0x5f: {  	_ =	shalt  }
0x60: {  	_ =	shalt  }
0x61: {  	_ =	shalt  }
0x62: {  	_ =	shalt  }
0x63: {  	_ =	shalt  }
0x64: {  	_ =	shalt  }
0x65: {  	_ =	shalt  }
0x66: {  	_ =	shalt  }
0x67: {  	_ =	shalt  }
0x68: {  	_ =	shalt  }
0x69: {  	_ =	shalt  }
0x6a: {  	_ =	shalt  }
0x6b: {  	_ =	shalt  }
0x6c: {  	_ =	shalt  }
0x6d: {  	_ =	shalt  }
0x6e: {  	_ =	shalt  }
0x6f: {  	_ =	shalt  }
0x70: {  	_ =	shalt  }
0x71: {  	_ =	shalt  }
0x72: {  	_ =	shalt  }
0x73: {  	_ =	shalt  }
0x74: {  	_ =	shalt  }
0x75: {  	_ =	shalt  }
0x76: {  	_ =	shalt  }
0x77: {  	_ =	shalt  }
0x78: {  	_ =	shalt  }
0x79: {  	_ =	shalt  }
0x7a: {  	_ =	shalt  }
0x7b: {  	_ =	shalt  }
0x7c: {  	_ =	shalt  }
0x7d: {  	_ =	shalt  }
0x7e: {  	_ =	shalt  }
0x7f: {  	_ =	shalt  }
0x80: {  	_ =	shalt  }
0x81: {  	_ =	shalt  }
0x82: {  	_ =	shalt  }
0x83: {  	_ =	shalt  }
0x84: {  	_ =	shalt  }
0x85: {  	_ =	shalt  }
0x86: {  	_ =	shalt  }
0x87: {  	_ =	shalt  }
.Lfunc_end0:
.L_simem_size_0:
called_computation_lowered:
.L_overlay_start_0:
0x88: {  	s2 =	sld [smem:$0x3FD9]  }
0x89: {  	s3 =	sld [smem:$0x3FFE];
	_ =	sdelay $0x1  }
0x8a: {  	s1 =	srdreg.scid  }
0x8b: {  	s0 =	sand.u32 $0x1, s1  }
0x8c: {  	s17 =	sshll.u32 s0, $0xA;
	s2 =	sadd.s32 s3, s2  }
0x8d: {  	s2 =	sadd.s32 s2, s17  }
0x8e: {  	[smem:$0x3FC1] =	sst s2  }
0x8f: {  	_ = 	snop  }
0x90: {  	s2 =	sld [smem:$0x3FC8];
	(tm) =	ssettm $0x1  }
0x91: {  	s18 =	sld [smem:$0x3FFB];
	_ =	sdelay $0x3  }
0x92: {  	_ =	strace s18  }
0x93: {  	s3 =	sld [smem:$0x3FFC];
	_ =	sdelay $0x3  }
0x94: {  	_ =	strace s3  }
0x95: {  	s3 =	sld [smem:$0x3FFD];
	_ =	sdelay $0x3  }
0x96: {  	_ =	strace s3  }
0x97: {  	_ =	strace $0x8FFFFFFF  }
0x98: {  	s19 =	sld [smem:$0x3FDB];
	_ =	sdelay $0x1  }
0x99: {  	s4 =	simm.s32 $_scs_section_size  }
0x9a: {  	s5 =	simm.s32 $_size__tile_overlayer_lowered;
	s6 =	simm.s32 $_tile_overlayer_lowered  }
0x9b: {  	s22 =	simm.s32 $0x1BFF;
	s21 =	sshll.u32 s6, $0x1;
	s3 =	sadd.s32 s4, s19  }
0x9c: {  	s7 =	simm.s32 $0x0;
	s20 =	sshll.u32 s5, $0x1;
	s5 =	sadd.s32 s21, s3  }
0x9d: {  	[timem:s7], [sflag:s22] =	dma.local [hbm:s5], s20  }
0x9e: {  	_ =	swait.ge [sflag:s22], s20  }
0x9f: {  	s4 =	ssub.s32 $0x0, s20;
	[sflag:s22] =	ssyncset.done $0x0  }
0xa0: {  	[sflag:s22] =	ssyncadd.s32 s4;
	_ =	sdelay $0x1  }
0xa1: {  	s23 =	simm.s32 $0x1B8B  }
0xa2: {  	_ =	swait.ge [sflag:s23], $0x1  }
0xa3: {  	[sflag:s23] =	ssyncset.done $0x0  }
0xa4: {  	s25 =	simm.s32 $0x1B8E;
	s24 =	sld [smem:$0x3FFE];
	[sflag:s23] =	ssyncadd.s32 $0xFFFFFFFF  }
0xa5: {  	s26 =	simm.s32 $execute0_lowered;
	[smem:$0x3FD2] =	sst s25  }
0xa6: {  	s5 =	sshll.u32 s26, $0x1;
	_ =	strace $0x80000046;
	[dreg:$0x1] =	wrdreg $0xFFFFFFFF  }
0xa7: {  	s28 =	simm.s32 $_size_execute0_lowered;
	s3 =	sadd.s32 s3, s5;
	[dreg:$0x0] =	wrdreg $0x0  }
0xa8: {  	s5 =	sshll.u32 s28, $0x1;
	[dreg:$0x2] =	wrdreg s3  }
0xa9: {  	[dreg:$0x3] =	wrdreg s5  }
0xaa: {  	[dreg:$0x4] =	wrdreg $0xC0  }
0xab: {  	_ =	task [dreg:s7], $0x5FFFF  }
0xac: {  	[dreg:$0x1] =	wrdreg $0xFFFFFFFF  }
0xad: {  	[dreg:$0x0] =	wrdreg $0x60  }
0xae: {  	[dreg:$0x2] =	wrdreg s24  }
0xaf: {  	[dreg:$0x3] =	wrdreg s2  }
0xb0: {  	[dreg:$0x4] =	wrdreg $0x9  }
0xb1: {  	_ =	task.clear_ibuf [dreg:s7], $0x5FFFF;
	_ =	strace $0x90000046  }
0xb2: {  	s29 =	simm.s32 $0x9;
	_ =	strace $0x80000048  }
0xb3: {  	_ =	swait.ge [sflag:s29], $0x1  }
0xb4: {  	[sflag:s29] =	ssyncadd.s32 $0xFFFFFFFF  }
0xb5: {  	_ =	strace $0x90000048  }
0xb6: {  	_ =	sfence  }
0xb7: {  	s30 =	sld [smem:$0x0];
	_ =	sdelay $0x2  }
0xb8: {  	s31 =	sshll.u32 s1, $0xD;
	s1 =	sshrl.u32 s1, $0x2  }
0xb9: {  	s3 =	sand.u32 $0x4000, s31;
	s1 =	sadd.s32 s1, s30  }
0xba: {  	s0 =	sor.u32 s3, s0;
	s1 =	sshll.u32 s1, $0x11  }
0xbb: {  	s0 =	sor.u32 s1, s0  }
0xbc: {  	s0 =	sadd.s32 $0x8F2B, s0  }
0xbd: {  	[sflag:s0] =	ssyncadd.remote.s32 $0x1  }
0xbe: {  	_ =	sfence.sel $0xFFFF  }
0xbf: {  	[dreg:$0x0] =	wrdreg $0xFFFFFFFF;
	(pc) =	sbr.abs _section_cstart, $3  }
0xc0: {  	[dreg:$0x1] =	wrdreg $0xFFFFFFFF  }
0xc1: {  	_ =	task.clear_ibuf [dreg:s7], $0x2FFFF;
	_ =	strace $0x9FFFFFFF  }
0xc2: {  	(tm) =	ssettm $0x7FFFFFFF  }
0xc3: {  	_ =	shalt  }
tec
execute0_lowered:
.L_overlay_start_1:
0x0: {  	(tag) =	ssettag $0x1  }
0x1: {  	s1 =	srdreg.scid  }
0x2: {  	s11 =	rddreg [dreg:$0x0];
	s0 =	stileid.u32;
	s12 =	sand.u32 $0x1, s1  }
0x3: {  	s3 =	rddreg [dreg:$0x1];
	s4 =	sshll.u32 s0, $0x6;
	s5 =	sshll.u32 s12, $0x5  }
0x4: {  	s2 =	simm.s32 $0x0;
	s1 =	rddreg [dreg:$0x2];
	s13 =	sor.u32 s5, s4  }
0x5: {  	[smem:$0x7FF] =	sst s2;
	s4 =	sshrl.u32 s13, $0x3  }
0x6: {  	_ =	strace $0x80000047;
	s4 =	sadd.s32 s3, s4;
	s3 =	simm.s32 $0x3  }
0x7: {  	[tilespmem:s2], [sflag:$0x3] =	stream.linear.gather [hbm4b:s4+s2], $0x20, $0x38;
	[tilespmem:$0x420] =	vst v63  }
0x8: {  	_ =	swait.ge [sflag:s3], $0x20  }
0x9: {  	[sflag:s3] =	ssyncset.done $0x0  }
0xa: {  	s6 =	simm.s32 $0x20;
	s5 =	sadd.s32 $0x1200, s11;
	[sflag:s3] =	ssyncadd.s32 $0xFFFFFFE0  }
0xb: {  	[tilespmem:s6], [sflag:$0x1] =	stream.indirect.gather [hbm4b:s5+s6], $0x10, s2, s6, $0xb8;
	[tilespmem:$0x420] =	vst v63  }
0xc: {  	s8 =	simm.s32 $0x220;
	s9 =	simm.s32 $0x1;
	s7 =	sadd.s32 $0x9200, s11  }
0xd: {  	[tilespmem:s8], [sflag:$0x2] =	stream.indirect.gather [hbm4b:s7+s6], $0x10, s2, s6, $0xb8;
	[tilespmem:$0x420] =	vst v63  }
0xe: {  	_ =	swait.ge [sflag:s9], $0x200  }
0xf: {  	[sflag:s9] =	ssyncset.done $0x0  }
0x10: {  	s10 =	simm.s32 $0x2;
	s12 =	ssub.s32 $0x2, s12;
	[sflag:s9] =	ssyncadd.s32 $0xFFFFFE00  }
0x11: {  	s14 =	sshrl.u32 s12, $0x1;
	s13 =	sshll.u32 s13, $0x1;
	_ =	swait.ge [sflag:s10], $0x200  }
0x12: {  	s14 =	ssub.s32 s12, s14;
	s13 =	sadd.s32 s13, s11;
	[sflag:s10] =	ssyncset.done $0x0  }
0x13: {  	s31 =	smax.u32 s14, $0x1;
	s11 =	sadd.s32 $0x11200, s13;
	[sflag:s10] =	ssyncadd.s32 $0xFFFFFE00  }
0x14: {  	[hbm4b:s11+s2] =	stream.linear.scatter [tilespmem:s6], [sflag:$0x3], $0x200, $0x38;
	[tilespmem:$0x420] =	vst v63  }
0x15: {  	p0 =	sne.s32 s31, $0x1;
	_ =	swait.ge [sflag:s3], $0x200  }
.Ltmp0:
0x16: {  	[sflag:s3] =	ssyncset.done $0x0;
	(pc) =	sbr.rel @!p0 .LBB2_2-.Ltmp0, $4  }
0x17: {  	s12 =	sadd.s32 $0x11A00, s13;
	[sflag:s3] =	ssyncadd.s32 $0xFFFFFE00  }
0x18: {  	[hbm4b:s12+s2] =	stream.linear.scatter [tilespmem:s8], [sflag:$0x3], $0x200, $0x38;
	[tilespmem:$0x420] =	vst v63  }
0x19: {  	_ =	swait.ge [sflag:s3], $0x200  }
0x1a: {  	s13 =	sadd.s32 $0xFFFFFFFF, s31;
	[sflag:s3] =	ssyncset.done $0x0  }
.LBB2_1:
0x1b: {  	p0 =	sne.s32 s13, $0x1;
	s13 =	sadd.s32 $0xFFFFFFFF, s13;
	[sflag:s3] =	ssyncadd.s32 $0xFFFFFE00  }
0x1c: {  	[tilespmem:s2], [sflag:$0x3] =	stream.linear.gather [hbm4b:s4+s2], $0x20, $0x38;
	[tilespmem:$0x420] =	vst v63  }
0x1d: {  	_ =	swait.ge [sflag:s3], $0x20  }
0x1e: {  	[sflag:s3] =	ssyncset.done $0x0  }
0x1f: {  	[sflag:s3] =	ssyncadd.s32 $0xFFFFFFE0  }
0x20: {  	[tilespmem:s6], [sflag:$0x1] =	stream.indirect.gather [hbm4b:s5+s6], $0x10, s2, s6, $0xb8;
	[tilespmem:$0x420] =	vst v63  }
0x21: {  	_ = 	snop  }
0x22: {  	[tilespmem:s8], [sflag:$0x2] =	stream.indirect.gather [hbm4b:s7+s6], $0x10, s2, s6, $0xb8;
	[tilespmem:$0x420] =	vst v63  }
0x23: {  	_ =	swait.ge [sflag:s9], $0x200  }
0x24: {  	[sflag:s9] =	ssyncset.done $0x0  }
0x25: {  	[sflag:s9] =	ssyncadd.s32 $0xFFFFFE00  }
0x26: {  	_ =	swait.ge [sflag:s10], $0x200  }
0x27: {  	[sflag:s10] =	ssyncset.done $0x0  }
0x28: {  	[sflag:s10] =	ssyncadd.s32 $0xFFFFFE00  }
0x29: {  	[hbm4b:s11+s2] =	stream.linear.scatter [tilespmem:s6], [sflag:$0x3], $0x200, $0x38;
	[tilespmem:$0x420] =	vst v63  }
0x2a: {  	_ =	swait.ge [sflag:s3], $0x200  }
.Ltmp1:
0x2b: {  	[sflag:s3] =	ssyncset.done $0x0;
	(pc) =	sbr.rel @p0 .LBB2_1-.Ltmp1, $4  }
0x2c: {  	[sflag:s3] =	ssyncadd.s32 $0xFFFFFE00  }
0x2d: {  	[hbm4b:s12+s2] =	stream.linear.scatter [tilespmem:s8], [sflag:$0x3], $0x200, $0x38;
	[tilespmem:$0x420] =	vst v63  }
0x2e: {  	_ =	swait.ge [sflag:s3], $0x200  }
0x2f: {  	[sflag:s3] =	ssyncset.done $0x0  }
.LBB2_2:
0x30: {  	[sflag:s3] =	ssyncadd.s32 $0xFFFFFE00  }
0x31: {  	_ =	sfence.sel $0x180000  }
0x32: {  	[bflag:$0x0] =	sbarrier.arrive $0xFFFF  }
0x33: {  	p0 =	sne.s32 s0, $0x0;
	_ =	strace $0x90000047  }
0x34: {  	s0 =	sadd.s32 @!p0 $0x100000, s1;
	[bflag:$0x2] =	sbarrier.arrive $0xFFFF  }
0x35: {  	[sflag:s0] =	ssyncadd.tile.s32 @!p0 $0x1;
	_ =	shalt  }
.Lfunc_end2:
_tile_overlayer_lowered:
.L_overlay_start_2:
0x36: {  	(tag) =	ssettag $0x2  }
0x37: {  	s0 =	rddreg [dreg:$0x0];
	s2 =	stileid.u32  }
0x38: {  	s1 =	rddreg [dreg:$0x1];
	p0 =	sne.s32 s2, $0x0  }
0x39: {  	s3 =	rddreg [dreg:$0x2];
	[bflag:$0x3] =	sbarrier.arrive $0xFFFF;
	s2 =	simm.s32 @!p0 $0x1C03  }
0x3a: {  	[timem:s3], [sflag:s2] =	dma.local @!p0 [hbm:s0], s1  }
0x3b: {  	s0 =	simm.s32 @!p0 $0x3  }
0x3c: {  	_ =	swait.ge @!p0 [sflag:s0], s1  }
0x3d: {  	s1 =	ssub.s32 @!p0 $0x0, s1;
	[sflag:s0] =	ssyncset.done @!p0 $0x0  }
0x3e: {  	[sflag:s0] =	ssyncadd.s32 @!p0 s1  }
0x3f: {  	[bflag:$0x3] =	sbarrier.arrive $0xFFFF  }
0x40: {  	_ =	shalt  }

</sc_bundles>
